<compile_context>
chip_gen: v7x
topology: tpu7x:2x2x1
jax: 0.10.2.dev20260603
libtpu: 0.0.44.dev20260713+nightly
codegen_flags: <defaults>
</compile_context>

<pallas_src>
import functools

import jax
import jax.numpy as jnp
from jax import lax
from jax.experimental import pallas as pl
from jax.experimental.pallas import tpu as pltpu
from jax.experimental.pallas import tpu_sc as plsc

N_NODES = 10000
NP = 10240
TRASH = 10000
E = 160000
BATCH = 128
NC, NS = 2, 16
NB = 80
EPT = NB * BATCH
EP = EPT * NS
RPT = NP // NS

_MESH = plsc.VectorSubcoreMesh(
    core_axis_name="c", subcore_axis_name="s", num_cores=NC, num_subcores=NS
)


def _deg_body(dst2d_hbm, ones_hbm, zeros_hbm, out_hbm, dst_v, ones_v, acc_sh):
    s = lax.axis_index("s")
    c = lax.axis_index("c")
    pltpu.sync_copy(dst2d_hbm.at[pl.ds(s * NB, NB)], dst_v)
    pltpu.sync_copy(ones_hbm, ones_v)
    pltpu.sync_copy(zeros_hbm, acc_sh.at[pl.ds(s * RPT, RPT)])
    plsc.subcore_barrier()

    @pl.loop(0, NB)
    def _(j):
        pltpu.sync_copy(ones_v, acc_sh.at[dst_v.at[j]], add=True)

    plsc.subcore_barrier()
    pltpu.sync_copy(
        acc_sh.at[pl.ds(s * RPT, RPT)], out_hbm.at[c].at[pl.ds(s * RPT, RPT)]
    )


_deg_call = functools.partial(
    pl.kernel,
    out_type=jax.ShapeDtypeStruct((NC, NP, 128), jnp.float32),
    mesh=_MESH,
    scratch_types=[
        pltpu.VMEM((NB, BATCH), jnp.int32),
        pltpu.VMEM((BATCH, 128), jnp.float32),
        pltpu.VMEM_SHARED((NP, 128), jnp.float32),
    ],
)(_deg_body)


def _make_agg(C):
    CPC = C // NC

    def body(src_hbm, dst2d_hbm, h_hbm, zeros_hbm, out_hbm,
             src_v, dst_v, rows_v, acc_sh):
        s = lax.axis_index("s")
        c = lax.axis_index("c")
        pltpu.sync_copy(src_hbm.at[pl.ds(s * EPT, EPT)], src_v)
        pltpu.sync_copy(dst2d_hbm.at[pl.ds(s * NB, NB)], dst_v)
        for cc in range(CPC):
            ch = c * CPC + cc
            pltpu.sync_copy(zeros_hbm, acc_sh.at[pl.ds(s * RPT, RPT)])
            plsc.subcore_barrier()
            table = h_hbm.at[ch]

            @pl.loop(0, NB)
            def _(j):
                idx = src_v.at[pl.ds(j * BATCH, BATCH)]
                pltpu.sync_copy(table.at[idx], rows_v)
                pltpu.sync_copy(rows_v, acc_sh.at[dst_v.at[j]], add=True)

            plsc.subcore_barrier()
            pltpu.sync_copy(
                acc_sh.at[pl.ds(s * RPT, RPT)],
                out_hbm.at[ch].at[pl.ds(s * RPT, RPT)],
            )

    return pl.kernel(
        body,
        out_type=jax.ShapeDtypeStruct((C, NP, 128), jnp.float32),
        mesh=_MESH,
        scratch_types=[
            pltpu.VMEM((EPT,), jnp.int32),
            pltpu.VMEM((NB, BATCH), jnp.int32),
            pltpu.VMEM((BATCH, 128), jnp.float32),
            pltpu.VMEM_SHARED((NP, 128), jnp.float32),
        ],
    )


_agg4 = _make_agg(4)
_agg2 = _make_agg(2)


def _mm_body(x_ref, w_ref, deg_ref, o_ref):
    p = jnp.dot(x_ref[...], w_ref[...], preferred_element_type=jnp.float32)
    o_ref[0] = p * lax.rsqrt(deg_ref[...] + 1.0)


def _mm(x, w, deg, c_out, bm=256):
    d_in = x.shape[1]
    return pl.pallas_call(
        _mm_body,
        grid=(NP // bm, c_out),
        in_specs=[
            pl.BlockSpec((bm, d_in), lambda i, j: (i, 0)),
            pl.BlockSpec((d_in, 128), lambda i, j: (0, j)),
            pl.BlockSpec((bm, 128), lambda i, j: (i, 0)),
        ],
        out_specs=pl.BlockSpec((1, bm, 128), lambda i, j: (j, i, 0)),
        out_shape=jax.ShapeDtypeStruct((c_out, NP, 128), jnp.float32),
        compiler_params=pltpu.CompilerParams(
            dimension_semantics=("parallel", "parallel")
        ),
    )(x, w, deg)


def _combine_body(a_ref, h_ref, deg_ref, b_ref, o_ref, *, relu):
    dinv = lax.rsqrt(deg_ref[...] + 1.0)
    v = dinv * (a_ref[0] + h_ref[0]) + b_ref[0]
    if relu:
        v = jnp.maximum(v, 0.0)
    o_ref[...] = v


def _combine(agg, h, deg, b2d, relu, bm=256):
    c = agg.shape[0]
    return pl.pallas_call(
        functools.partial(_combine_body, relu=relu),
        grid=(NP // bm, c),
        in_specs=[
            pl.BlockSpec((1, bm, 128), lambda i, j: (j, i, 0)),
            pl.BlockSpec((1, bm, 128), lambda i, j: (j, i, 0)),
            pl.BlockSpec((bm, 128), lambda i, j: (i, 0)),
            pl.BlockSpec((1, 1, 128), lambda i, j: (j, 0, 0)),
        ],
        out_specs=pl.BlockSpec((bm, 128), lambda i, j: (i, j)),
        out_shape=jax.ShapeDtypeStruct((NP, c * 128), jnp.float32),
        compiler_params=pltpu.CompilerParams(
            dimension_semantics=("parallel", "parallel")
        ),
    )(agg, h, deg, b2d)


def kernel(edge_index, user_emb, movie_emb, W1, b1, W2, b2):
    src = edge_index[0]
    dst = edge_index[1]
    pad = EP - E
    src_p = jnp.concatenate([src, jnp.zeros((pad,), src.dtype)])
    dst_p = jnp.concatenate([dst, jnp.full((pad,), TRASH, dst.dtype)])
    dst2d = dst_p.reshape(NS * NB, BATCH)

    x = jnp.concatenate([user_emb, movie_emb], axis=0)
    x = jnp.pad(x, ((0, NP - N_NODES), (0, 0)))

    zeros_sc = jnp.zeros((RPT, 128), jnp.float32)
    ones_sc = jnp.ones((BATCH, 128), jnp.float32)

    deg = _deg_call(dst2d, ones_sc, zeros_sc)[0]

    h1 = _mm(x, W1, deg, 4)
    agg1 = _agg4(src_p, dst2d, h1, zeros_sc)
    x1 = _combine(agg1, h1, deg, b1.reshape(4, 1, 128), relu=True)

    h2 = _mm(x1, W2, deg, 2)
    agg2 = _agg2(src_p, dst2d, h2, zeros_sc)
    out = _combine(agg2, h2, deg, b2.reshape(2, 1, 128), relu=False)

    return out[:N_NODES]

# --- scband reference (transcript-rebuilt; emitter-appended) ---
"""Pipeline reference for scband-movie-gcnrecommender-1228360647035 (READ-ONLY COPY).

The authoritative reference and input builder live on the scoring server;
editing this copy changes nothing except your own understanding.
"""

import jax, jax.numpy as jnp
import numpy as np

NUM_USERS = 4000
NUM_MOVIES = 6000
NUM_NODES = NUM_USERS + NUM_MOVIES
HIDDEN = 512
OUT = 256
NUM_EDGES = 160000


def gcn_conv(x, edge_index, W, b):
    # Faithful GCNConv: add self loops, symmetric deg^{-1/2} normalization,
    # linear transform, scatter-add aggregation, then bias.
    n = x.shape[0]
    src = edge_index[0]
    dst = edge_index[1]
    loop = jnp.arange(n, dtype=src.dtype)
    src = jnp.concatenate([src, loop])
    dst = jnp.concatenate([dst, loop])
    deg = jnp.zeros((n,), dtype=x.dtype).at[dst].add(1.0)
    deg_inv_sqrt = jnp.where(deg > 0, deg ** -0.5, 0.0)
    norm = deg_inv_sqrt[src] * deg_inv_sqrt[dst]
    h = x @ W
    msgs = h[src] * norm[:, None]
    out = jnp.zeros((n, W.shape[1]), dtype=x.dtype).at[dst].add(msgs)
    return out + b


def setup_inputs(seed: int = 0) -> dict:
    key = jax.random.key(seed)
    k1, k2, k3, k4, k5 = jax.random.split(key, 5)
    edge_index = jax.random.randint(k1, (2, NUM_EDGES), 0, NUM_NODES, dtype=jnp.int32)
    user_emb = jax.random.normal(k2, (NUM_USERS, HIDDEN), dtype=jnp.float32)
    movie_emb = jax.random.normal(k3, (NUM_MOVIES, HIDDEN), dtype=jnp.float32)
    W1 = jax.random.normal(k4, (HIDDEN, HIDDEN), dtype=jnp.float32) * (1.0 / np.sqrt(HIDDEN))
    b1 = jnp.zeros((HIDDEN,), dtype=jnp.float32)
    W2 = jax.random.normal(k5, (HIDDEN, OUT), dtype=jnp.float32) * (1.0 / np.sqrt(HIDDEN))
    b2 = jnp.zeros((OUT,), dtype=jnp.float32)
    return {
        "edge_index": edge_index,
        "user_emb": user_emb,
        "movie_emb": movie_emb,
        "W1": W1,
        "b1": b1,
        "W2": W2,
        "b2": b2,
    }


def reference(edge_index, user_emb, movie_emb, W1, b1, W2, b2):
    x = jnp.concatenate([user_emb, movie_emb], axis=0)
    x = gcn_conv(x, edge_index, W1, b1)
    x = jax.nn.relu(x)
    x = gcn_conv(x, edge_index, W2, b2)
    return x

if __name__ == "__main__":
    import jax
    _d = setup_inputs()
    print(jax.jit(kernel)(*tuple(_d.values())))

</pallas_src>

<mosaic_0001>
#map = affine_map<(d0, d1) -> (0, 0)>
#map1 = affine_map<(d0, d1) -> (0, 0, 0)>
module attributes {stable_mosaic.version = 14 : i64} {
  func.func @_deg_body(%arg0: i32, %arg1: i32, %arg2: memref<1280x128xi32, #tpu.memory_space<hbm>>, %arg3: memref<128x128xf32, #tpu.memory_space<hbm>>, %arg4: memref<640x128xf32, #tpu.memory_space<hbm>>, %arg5: memref<2x10240x128xf32, #tpu.memory_space<hbm>>, %arg6: memref<80x128xi32, #tpu.memory_space<vmem>>, %arg7: memref<128x128xf32, #tpu.memory_space<vmem>>, %arg8: memref<10240x128xf32, #tpu.memory_space<vmem_shared>>) attributes {dimension_semantics = [#tpu.dimension_semantics<core_parallel>, #tpu.dimension_semantics<subcore_parallel>], iteration_bounds = array<i64: 2, 16>, scalar_prefetch = 0 : i64, scratch_operands = 3 : i64, tpu.core_type = #tpu.core_type<sc_vector_subcore>, window_params = [{transform_indices = #map}, {transform_indices = #map}, {transform_indices = #map}, {transform_indices = #map1}]} {
    %mul3A = arith.constant 80 : i32
    %mul3A_0 = arith.muli %arg1, %mul3A : i32
    "tpu.region"() ({
      %run_scoped3A = tpu.sem_alloc : memref<!tpu.dma_semaphore, #tpu.memory_space<semaphore_mem>>
      %dma_start3A = arith.constant 0 : i32
      %dma_start3A_12 = tpu.memref_slice %arg2[%mul3A_0, %dma_start3A] : memref<1280x128xi32, #tpu.memory_space<hbm>> -> memref<80x128xi32, #tpu.memory_space<hbm>>
      %dma_start3A_13 = arith.constant 0 : i32
      %dma_start3A_14 = tpu.memref_slice %arg2[%mul3A_0, %dma_start3A_13] : memref<1280x128xi32, #tpu.memory_space<hbm>> -> memref<80x128xi32, #tpu.memory_space<hbm>>
      tpu.enqueue_dma source(%dma_start3A_14 : memref<80x128xi32, #tpu.memory_space<hbm>>) target(%arg6 : memref<80x128xi32, #tpu.memory_space<vmem>>) target_semaphore(%run_scoped3A : memref<!tpu.dma_semaphore, #tpu.memory_space<semaphore_mem>>)
      %dma_wait3A = arith.constant 0 : i32
      %dma_wait3A_15 = tpu.memref_slice %arg2[%mul3A_0, %dma_wait3A] : memref<1280x128xi32, #tpu.memory_space<hbm>> -> memref<80x128xi32, #tpu.memory_space<hbm>>
      %dma_wait3A_16 = arith.constant 0 : i32
      %dma_wait3A_17 = tpu.memref_slice %arg2[%mul3A_0, %dma_wait3A_16] : memref<1280x128xi32, #tpu.memory_space<hbm>> -> memref<80x128xi32, #tpu.memory_space<hbm>>
      tpu.wait_dma2 semaphore(%run_scoped3A : memref<!tpu.dma_semaphore, #tpu.memory_space<semaphore_mem>>) src(%dma_wait3A_17 : memref<80x128xi32, #tpu.memory_space<hbm>>) dst(%arg6 : memref<80x128xi32, #tpu.memory_space<vmem>>)
      tpu.yield
    }) : () -> ()
    "tpu.region"() ({
      %run_scoped3A = tpu.sem_alloc : memref<!tpu.dma_semaphore, #tpu.memory_space<semaphore_mem>>
      tpu.enqueue_dma source(%arg3 : memref<128x128xf32, #tpu.memory_space<hbm>>) target(%arg7 : memref<128x128xf32, #tpu.memory_space<vmem>>) target_semaphore(%run_scoped3A : memref<!tpu.dma_semaphore, #tpu.memory_space<semaphore_mem>>)
      tpu.wait_dma2 semaphore(%run_scoped3A : memref<!tpu.dma_semaphore, #tpu.memory_space<semaphore_mem>>) src(%arg3 : memref<128x128xf32, #tpu.memory_space<hbm>>) dst(%arg7 : memref<128x128xf32, #tpu.memory_space<vmem>>)
      tpu.yield
    }) : () -> ()
    %mul3A_1 = arith.constant 640 : i32
    %mul3A_2 = arith.muli %arg1, %mul3A_1 : i32
    "tpu.region"() ({
      %run_scoped3A = tpu.sem_alloc : memref<!tpu.dma_semaphore, #tpu.memory_space<semaphore_mem>>
      %dma_start3A = arith.constant 0 : i32
      %dma_start3A_12 = tpu.memref_slice %arg8[%mul3A_2, %dma_start3A] : memref<10240x128xf32, #tpu.memory_space<vmem_shared>> -> memref<640x128xf32, #tpu.memory_space<vmem_shared>>
      tpu.enqueue_dma source(%arg4 : memref<640x128xf32, #tpu.memory_space<hbm>>) target(%dma_start3A_12 : memref<640x128xf32, #tpu.memory_space<vmem_shared>>) target_semaphore(%run_scoped3A : memref<!tpu.dma_semaphore, #tpu.memory_space<semaphore_mem>>)
      %dma_wait3A = arith.constant 0 : i32
      %dma_wait3A_13 = tpu.memref_slice %arg8[%mul3A_2, %dma_wait3A] : memref<10240x128xf32, #tpu.memory_space<vmem_shared>> -> memref<640x128xf32, #tpu.memory_space<vmem_shared>>
      tpu.wait_dma2 semaphore(%run_scoped3A : memref<!tpu.dma_semaphore, #tpu.memory_space<semaphore_mem>>) src(%arg4 : memref<640x128xf32, #tpu.memory_space<hbm>>) dst(%dma_wait3A_13 : memref<640x128xf32, #tpu.memory_space<vmem_shared>>)
      tpu.yield
    }) : () -> ()
    %barrier3A = arith.constant 0 : index
    tpu.barrier barrier_id(%barrier3A)
    %scan3A = arith.constant 0 : i32
    %scan3A_3 = arith.constant 80 : i32
    %scan3A_4 = arith.addi %scan3A, %scan3A_3 : i32
    %scan3A_5 = arith.constant 1 : i32
    scf.for %scan3A_12 = %scan3A to %scan3A_4 step %scan3A_5  : i32 {
      %mul3A_13 = arith.constant 1 : i32
      %mul3A_14 = arith.muli %scan3A_12, %mul3A_13 : i32
      %add3A = arith.constant 0 : i32
      %add3A_15 = arith.addi %add3A, %mul3A_14 : i32
      "tpu.region"() ({
        %run_scoped3A = tpu.sem_alloc : memref<!tpu.dma_semaphore, #tpu.memory_space<semaphore_mem>>
        %dma_start3A = arith.constant 0 : i32
        %dma_start3A_16 = tpu.memref_slice %arg6[%add3A_15, %dma_start3A] : memref<80x128xi32, #tpu.memory_space<vmem>> -> memref<1x128xi32, #tpu.memory_space<vmem>>
        %dma_start3A_17 = tpu.memref_squeeze %dma_start3A_16 : memref<1x128xi32, #tpu.memory_space<vmem>> -> memref<128xi32, #tpu.memory_space<vmem>>
        %dma_start3A_18 = arith.constant 0 : i32
        %dma_start3A_19 = arith.constant 0 : i32
        %dma_start3A_20 = tpu.memref_slice %arg8[%dma_start3A_18, %dma_start3A_19] : memref<10240x128xf32, #tpu.memory_space<vmem_shared>> -> memref<10240x128xf32, #tpu.memory_space<vmem_shared>>
        tpu.enqueue_indirect_dma source(%arg7 : memref<128x128xf32, #tpu.memory_space<vmem>>) target(%dma_start3A_20 : memref<10240x128xf32, #tpu.memory_space<vmem_shared>>) offsets(%dma_start3A_17 : memref<128xi32, #tpu.memory_space<vmem>>) semaphore(%run_scoped3A : memref<!tpu.dma_semaphore, #tpu.memory_space<semaphore_mem>>) {add = true}
        %dma_wait3A = arith.constant 0 : i32
        %dma_wait3A_21 = tpu.memref_slice %arg6[%add3A_15, %dma_wait3A] : memref<80x128xi32, #tpu.memory_space<vmem>> -> memref<1x128xi32, #tpu.memory_space<vmem>>
        %dma_wait3A_22 = tpu.memref_squeeze %dma_wait3A_21 : memref<1x128xi32, #tpu.memory_space<vmem>> -> memref<128xi32, #tpu.memory_space<vmem>>
        %dma_wait3A_23 = arith.constant 0 : i32
        %dma_wait3A_24 = arith.constant 0 : i32
        %dma_wait3A_25 = tpu.memref_slice %arg8[%dma_wait3A_23, %dma_wait3A_24] : memref<10240x128xf32, #tpu.memory_space<vmem_shared>> -> memref<10240x128xf32, #tpu.memory_space<vmem_shared>>
        tpu.wait_indirect_dma semaphore(%run_scoped3A : memref<!tpu.dma_semaphore, #tpu.memory_space<semaphore_mem>>) src(%arg7 : memref<128x128xf32, #tpu.memory_space<vmem>>) dst(%dma_wait3A_25 : memref<10240x128xf32, #tpu.memory_space<vmem_shared>>)
        tpu.yield
      }) : () -> ()
    }
    %scan3A_6 = arith.constant 80 : i32
    %barrier3A_7 = arith.constant 0 : index
    tpu.barrier barrier_id(%barrier3A_7)
    %mul3A_8 = arith.constant 640 : i32
    %mul3A_9 = arith.muli %arg1, %mul3A_8 : i32
    %mul3A_10 = arith.constant 640 : i32
    %mul3A_11 = arith.muli %arg1, %mul3A_10 : i32
    "tpu.region"() ({
      %run_scoped3A = tpu.sem_alloc : memref<!tpu.dma_semaphore, #tpu.memory_space<semaphore_mem>>
      %dma_start3A = arith.constant 0 : i32
      %dma_start3A_12 = arith.constant 0 : i32
      %dma_start3A_13 = tpu.memref_slice %arg5[%arg0, %dma_start3A, %dma_start3A_12] : memref<2x10240x128xf32, #tpu.memory_space<hbm>> -> memref<1x10240x128xf32, #tpu.memory_space<hbm>>
      %dma_start3A_14 = tpu.memref_squeeze %dma_start3A_13 : memref<1x10240x128xf32, #tpu.memory_space<hbm>> -> memref<10240x128xf32, #tpu.memory_space<hbm>>
      %dma_start3A_15 = arith.constant 0 : i32
      %dma_start3A_16 = tpu.memref_slice %dma_start3A_14[%mul3A_11, %dma_start3A_15] : memref<10240x128xf32, #tpu.memory_space<hbm>> -> memref<640x128xf32, #tpu.memory_space<hbm>>
      %dma_start3A_17 = arith.constant 0 : i32
      %dma_start3A_18 = tpu.memref_slice %arg8[%mul3A_9, %dma_start3A_17] : memref<10240x128xf32, #tpu.memory_space<vmem_shared>> -> memref<640x128xf32, #tpu.memory_space<vmem_shared>>
      tpu.enqueue_dma source(%dma_start3A_18 : memref<640x128xf32, #tpu.memory_space<vmem_shared>>) target(%dma_start3A_16 : memref<640x128xf32, #tpu.memory_space<hbm>>) target_semaphore(%run_scoped3A : memref<!tpu.dma_semaphore, #tpu.memory_space<semaphore_mem>>)
      %dma_wait3A = arith.constant 0 : i32
      %dma_wait3A_19 = arith.constant 0 : i32
      %dma_wait3A_20 = tpu.memref_slice %arg5[%arg0, %dma_wait3A, %dma_wait3A_19] : memref<2x10240x128xf32, #tpu.memory_space<hbm>> -> memref<1x10240x128xf32, #tpu.memory_space<hbm>>
      %dma_wait3A_21 = tpu.memref_squeeze %dma_wait3A_20 : memref<1x10240x128xf32, #tpu.memory_space<hbm>> -> memref<10240x128xf32, #tpu.memory_space<hbm>>
      %dma_wait3A_22 = arith.constant 0 : i32
      %dma_wait3A_23 = tpu.memref_slice %dma_wait3A_21[%mul3A_11, %dma_wait3A_22] : memref<10240x128xf32, #tpu.memory_space<hbm>> -> memref<640x128xf32, #tpu.memory_space<hbm>>
      %dma_wait3A_24 = arith.constant 0 : i32
      %dma_wait3A_25 = tpu.memref_slice %arg8[%mul3A_9, %dma_wait3A_24] : memref<10240x128xf32, #tpu.memory_space<vmem_shared>> -> memref<640x128xf32, #tpu.memory_space<vmem_shared>>
      tpu.wait_dma2 semaphore(%run_scoped3A : memref<!tpu.dma_semaphore, #tpu.memory_space<semaphore_mem>>) src(%dma_wait3A_25 : memref<640x128xf32, #tpu.memory_space<vmem_shared>>) dst(%dma_wait3A_23 : memref<640x128xf32, #tpu.memory_space<hbm>>)
      tpu.yield
    }) : () -> ()
    return
  }
}

#map = affine_map<(d0, d1) -> (0)>
#map1 = affine_map<(d0, d1) -> (0, 0)>
#map2 = affine_map<(d0, d1) -> (0, 0, 0)>
module attributes {stable_mosaic.version = 14 : i64} {
  func.func @body(%arg0: i32, %arg1: i32, %arg2: memref<163840xi32, #tpu.memory_space<hbm>>, %arg3: memref<1280x128xi32, #tpu.memory_space<hbm>>, %arg4: memref<4x10240x128xf32, #tpu.memory_space<hbm>>, %arg5: memref<640x128xf32, #tpu.memory_space<hbm>>, %arg6: memref<4x10240x128xf32, #tpu.memory_space<hbm>>, %arg7: memref<10240xi32, #tpu.memory_space<vmem>>, %arg8: memref<80x128xi32, #tpu.memory_space<vmem>>, %arg9: memref<128x128xf32, #tpu.memory_space<vmem>>, %arg10: memref<10240x128xf32, #tpu.memory_space<vmem_shared>>) attributes {dimension_semantics = [#tpu.dimension_semantics<core_parallel>, #tpu.dimension_semantics<subcore_parallel>], iteration_bounds = array<i64: 2, 16>, scalar_prefetch = 0 : i64, scratch_operands = 4 : i64, tpu.core_type = #tpu.core_type<sc_vector_subcore>, window_params = [{transform_indices = #map}, {transform_indices = #map1}, {transform_indices = #map2}, {transform_indices = #map1}, {transform_indices = #map2}]} {
    %mul3A = arith.constant 10240 : i32
    %mul3A_0 = arith.muli %arg1, %mul3A : i32
    "tpu.region"() ({
      %run_scoped3A = tpu.sem_alloc : memref<!tpu.dma_semaphore, #tpu.memory_space<semaphore_mem>>
      %dma_start3A = tpu.memref_slice %arg2[%mul3A_0] : memref<163840xi32, #tpu.memory_space<hbm>> -> memref<10240xi32, #tpu.memory_space<hbm>>
      %dma_start3A_34 = tpu.memref_slice %arg2[%mul3A_0] : memref<163840xi32, #tpu.memory_space<hbm>> -> memref<10240xi32, #tpu.memory_space<hbm>>
      tpu.enqueue_dma source(%dma_start3A_34 : memref<10240xi32, #tpu.memory_space<hbm>>) target(%arg7 : memref<10240xi32, #tpu.memory_space<vmem>>) target_semaphore(%run_scoped3A : memref<!tpu.dma_semaphore, #tpu.memory_space<semaphore_mem>>)
      %dma_wait3A = tpu.memref_slice %arg2[%mul3A_0] : memref<163840xi32, #tpu.memory_space<hbm>> -> memref<10240xi32, #tpu.memory_space<hbm>>
      %dma_wait3A_35 = tpu.memref_slice %arg2[%mul3A_0] : memref<163840xi32, #tpu.memory_space<hbm>> -> memref<10240xi32, #tpu.memory_space<hbm>>
      tpu.wait_dma2 semaphore(%run_scoped3A : memref<!tpu.dma_semaphore, #tpu.memory_space<semaphore_mem>>) src(%dma_wait3A_35 : memref<10240xi32, #tpu.memory_space<hbm>>) dst(%arg7 : memref<10240xi32, #tpu.memory_space<vmem>>)
      tpu.yield
    }) : () -> ()
    %mul3A_1 = arith.constant 80 : i32
    %mul3A_2 = arith.muli %arg1, %mul3A_1 : i32
    "tpu.region"() ({
      %run_scoped3A = tpu.sem_alloc : memref<!tpu.dma_semaphore, #tpu.memory_space<semaphore_mem>>
      %dma_start3A = arith.constant 0 : i32
      %dma_start3A_34 = tpu.memref_slice %arg3[%mul3A_2, %dma_start3A] : memref<1280x128xi32, #tpu.memory_space<hbm>> -> memref<80x128xi32, #tpu.memory_space<hbm>>
      %dma_start3A_35 = arith.constant 0 : i32
      %dma_start3A_36 = tpu.memref_slice %arg3[%mul3A_2, %dma_start3A_35] : memref<1280x128xi32, #tpu.memory_space<hbm>> -> memref<80x128xi32, #tpu.memory_space<hbm>>
      tpu.enqueue_dma source(%dma_start3A_36 : memref<80x128xi32, #tpu.memory_space<hbm>>) target(%arg8 : memref<80x128xi32, #tpu.memory_space<vmem>>) target_semaphore(%run_scoped3A : memref<!tpu.dma_semaphore, #tpu.memory_space<semaphore_mem>>)
      %dma_wait3A = arith.constant 0 : i32
      %dma_wait3A_37 = tpu.memref_slice %arg3[%mul3A_2, %dma_wait3A] : memref<1280x128xi32, #tpu.memory_space<hbm>> -> memref<80x128xi32, #tpu.memory_space<hbm>>
      %dma_wait3A_38 = arith.constant 0 : i32
      %dma_wait3A_39 = tpu.memref_slice %arg3[%mul3A_2, %dma_wait3A_38] : memref<1280x128xi32, #tpu.memory_space<hbm>> -> memref<80x128xi32, #tpu.memory_space<hbm>>
      tpu.wait_dma2 semaphore(%run_scoped3A : memref<!tpu.dma_semaphore, #tpu.memory_space<semaphore_mem>>) src(%dma_wait3A_39 : memref<80x128xi32, #tpu.memory_space<hbm>>) dst(%arg8 : memref<80x128xi32, #tpu.memory_space<vmem>>)
      tpu.yield
    }) : () -> ()
    %mul3A_3 = arith.constant 2 : i32
    %mul3A_4 = arith.muli %arg0, %mul3A_3 : i32
    %add3A = arith.constant 0 : i32
    %add3A_5 = arith.addi %mul3A_4, %add3A : i32
    %mul3A_6 = arith.constant 640 : i32
    %mul3A_7 = arith.muli %arg1, %mul3A_6 : i32
    "tpu.region"() ({
      %run_scoped3A = tpu.sem_alloc : memref<!tpu.dma_semaphore, #tpu.memory_space<semaphore_mem>>
      %dma_start3A = arith.constant 0 : i32
      %dma_start3A_34 = tpu.memref_slice %arg10[%mul3A_7, %dma_start3A] : memref<10240x128xf32, #tpu.memory_space<vmem_shared>> -> memref<640x128xf32, #tpu.memory_space<vmem_shared>>
      tpu.enqueue_dma source(%arg5 : memref<640x128xf32, #tpu.memory_space<hbm>>) target(%dma_start3A_34 : memref<640x128xf32, #tpu.memory_space<vmem_shared>>) target_semaphore(%run_scoped3A : memref<!tpu.dma_semaphore, #tpu.memory_space<semaphore_mem>>)
      %dma_wait3A = arith.constant 0 : i32
      %dma_wait3A_35 = tpu.memref_slice %arg10[%mul3A_7, %dma_wait3A] : memref<10240x128xf32, #tpu.memory_space<vmem_shared>> -> memref<640x128xf32, #tpu.memory_space<vmem_shared>>
      tpu.wait_dma2 semaphore(%run_scoped3A : memref<!tpu.dma_semaphore, #tpu.memory_space<semaphore_mem>>) src(%arg5 : memref<640x128xf32, #tpu.memory_space<hbm>>) dst(%dma_wait3A_35 : memref<640x128xf32, #tpu.memory_space<vmem_shared>>)
      tpu.yield
    }) : () -> ()
    %barrier3A = arith.constant 0 : index
    tpu.barrier barrier_id(%barrier3A)
    %scan3A = arith.constant 0 : i32
    %scan3A_8 = arith.constant 80 : i32
    %scan3A_9 = arith.addi %scan3A, %scan3A_8 : i32
    %scan3A_10 = arith.constant 1 : i32
    scf.for %scan3A_34 = %scan3A to %scan3A_9 step %scan3A_10  : i32 {
      %mul3A_35 = arith.constant 1 : i32
      %mul3A_36 = arith.muli %scan3A_34, %mul3A_35 : i32
      %add3A_37 = arith.constant 0 : i32
      %add3A_38 = arith.addi %add3A_37, %mul3A_36 : i32
      %mul3A_39 = arith.constant 128 : i32
      %mul3A_40 = arith.muli %add3A_38, %mul3A_39 : i32
      "tpu.region"() ({
        %run_scoped3A = tpu.sem_alloc : memref<!tpu.dma_semaphore, #tpu.memory_space<semaphore_mem>>
        %dma_start3A = tpu.memref_slice %arg7[%mul3A_40] : memref<10240xi32, #tpu.memory_space<vmem>> -> memref<128xi32, #tpu.memory_space<vmem>>
        %dma_start3A_41 = arith.constant 0 : i32
        %dma_start3A_42 = arith.constant 0 : i32
        %dma_start3A_43 = tpu.memref_slice %arg4[%add3A_5, %dma_start3A_41, %dma_start3A_42] : memref<4x10240x128xf32, #tpu.memory_space<hbm>> -> memref<1x10240x128xf32, #tpu.memory_space<hbm>>
        %dma_start3A_44 = tpu.memref_squeeze %dma_start3A_43 : memref<1x10240x128xf32, #tpu.memory_space<hbm>> -> memref<10240x128xf32, #tpu.memory_space<hbm>>
        %dma_start3A_45 = arith.constant 0 : i32
        %dma_start3A_46 = arith.constant 0 : i32
        %dma_start3A_47 = tpu.memref_slice %dma_start3A_44[%dma_start3A_45, %dma_start3A_46] : memref<10240x128xf32, #tpu.memory_space<hbm>> -> memref<10240x128xf32, #tpu.memory_space<hbm>>
        tpu.enqueue_indirect_dma source(%dma_start3A_47 : memref<10240x128xf32, #tpu.memory_space<hbm>>) target(%arg9 : memref<128x128xf32, #tpu.memory_space<vmem>>) offsets(%dma_start3A : memref<128xi32, #tpu.memory_space<vmem>>) semaphore(%run_scoped3A : memref<!tpu.dma_semaphore, #tpu.memory_space<semaphore_mem>>)
        %dma_wait3A = tpu.memref_slice %arg7[%mul3A_40] : memref<10240xi32, #tpu.memory_space<vmem>> -> memref<128xi32, #tpu.memory_space<vmem>>
        %dma_wait3A_48 = arith.constant 0 : i32
        %dma_wait3A_49 = arith.constant 0 : i32
        %dma_wait3A_50 = tpu.memref_slice %arg4[%add3A_5, %dma_wait3A_48, %dma_wait3A_49] : memref<4x10240x128xf32, #tpu.memory_space<hbm>> -> memref<1x10240x128xf32, #tpu.memory_space<hbm>>
        %dma_wait3A_51 = tpu.memref_squeeze %dma_wait3A_50 : memref<1x10240x128xf32, #tpu.memory_space<hbm>> -> memref<10240x128xf32, #tpu.memory_space<hbm>>
        %dma_wait3A_52 = arith.constant 0 : i32
        %dma_wait3A_53 = arith.constant 0 : i32
        %dma_wait3A_54 = tpu.memref_slice %dma_wait3A_51[%dma_wait3A_52, %dma_wait3A_53] : memref<10240x128xf32, #tpu.memory_space<hbm>> -> memref<10240x128xf32, #tpu.memory_space<hbm>>
        tpu.wait_indirect_dma semaphore(%run_scoped3A : memref<!tpu.dma_semaphore, #tpu.memory_space<semaphore_mem>>) src(%dma_wait3A_54 : memref<10240x128xf32, #tpu.memory_space<hbm>>) dst(%arg9 : memref<128x128xf32, #tpu.memory_space<vmem>>)
        tpu.yield
      }) : () -> ()
      "tpu.region"() ({
        %run_scoped3A = tpu.sem_alloc : memref<!tpu.dma_semaphore, #tpu.memory_space<semaphore_mem>>
        %dma_start3A = arith.constant 0 : i32
        %dma_start3A_41 = tpu.memref_slice %arg8[%add3A_38, %dma_start3A] : memref<80x128xi32, #tpu.memory_space<vmem>> -> memref<1x128xi32, #tpu.memory_space<vmem>>
        %dma_start3A_42 = tpu.memref_squeeze %dma_start3A_41 : memref<1x128xi32, #tpu.memory_space<vmem>> -> memref<128xi32, #tpu.memory_space<vmem>>
        %dma_start3A_43 = arith.constant 0 : i32
        %dma_start3A_44 = arith.constant 0 : i32
        %dma_start3A_45 = tpu.memref_slice %arg10[%dma_start3A_43, %dma_start3A_44] : memref<10240x128xf32, #tpu.memory_space<vmem_shared>> -> memref<10240x128xf32, #tpu.memory_space<vmem_shared>>
        tpu.enqueue_indirect_dma source(%arg9 : memref<128x128xf32, #tpu.memory_space<vmem>>) target(%dma_start3A_45 : memref<10240x128xf32, #tpu.memory_space<vmem_shared>>) offsets(%dma_start3A_42 : memref<128xi32, #tpu.memory_space<vmem>>) semaphore(%run_scoped3A : memref<!tpu.dma_semaphore, #tpu.memory_space<semaphore_mem>>) {add = true}
        %dma_wait3A = arith.constant 0 : i32
        %dma_wait3A_46 = tpu.memref_slice %arg8[%add3A_38, %dma_wait3A] : memref<80x128xi32, #tpu.memory_space<vmem>> -> memref<1x128xi32, #tpu.memory_space<vmem>>
        %dma_wait3A_47 = tpu.memref_squeeze %dma_wait3A_46 : memref<1x128xi32, #tpu.memory_space<vmem>> -> memref<128xi32, #tpu.memory_space<vmem>>
        %dma_wait3A_48 = arith.constant 0 : i32
        %dma_wait3A_49 = arith.constant 0 : i32
        %dma_wait3A_50 = tpu.memref_slice %arg10[%dma_wait3A_48, %dma_wait3A_49] : memref<10240x128xf32, #tpu.memory_space<vmem_shared>> -> memref<10240x128xf32, #tpu.memory_space<vmem_shared>>
        tpu.wait_indirect_dma semaphore(%run_scoped3A : memref<!tpu.dma_semaphore, #tpu.memory_space<semaphore_mem>>) src(%arg9 : memref<128x128xf32, #tpu.memory_space<vmem>>) dst(%dma_wait3A_50 : memref<10240x128xf32, #tpu.memory_space<vmem_shared>>)
        tpu.yield
      }) : () -> ()
    }
    %scan3A_11 = arith.constant 80 : i32
    %barrier3A_12 = arith.constant 0 : index
    tpu.barrier barrier_id(%barrier3A_12)
    %mul3A_13 = arith.constant 640 : i32
    %mul3A_14 = arith.muli %arg1, %mul3A_13 : i32
    %mul3A_15 = arith.constant 640 : i32
    %mul3A_16 = arith.muli %arg1, %mul3A_15 : i32
    "tpu.region"() ({
      %run_scoped3A = tpu.sem_alloc : memref<!tpu.dma_semaphore, #tpu.memory_space<semaphore_mem>>
      %dma_start3A = arith.constant 0 : i32
      %dma_start3A_34 = arith.constant 0 : i32
      %dma_start3A_35 = tpu.memref_slice %arg6[%add3A_5, %dma_start3A, %dma_start3A_34] : memref<4x10240x128xf32, #tpu.memory_space<hbm>> -> memref<1x10240x128xf32, #tpu.memory_space<hbm>>
      %dma_start3A_36 = tpu.memref_squeeze %dma_start3A_35 : memref<1x10240x128xf32, #tpu.memory_space<hbm>> -> memref<10240x128xf32, #tpu.memory_space<hbm>>
      %dma_start3A_37 = arith.constant 0 : i32
      %dma_start3A_38 = tpu.memref_slice %dma_start3A_36[%mul3A_16, %dma_start3A_37] : memref<10240x128xf32, #tpu.memory_space<hbm>> -> memref<640x128xf32, #tpu.memory_space<hbm>>
      %dma_start3A_39 = arith.constant 0 : i32
      %dma_start3A_40 = tpu.memref_slice %arg10[%mul3A_14, %dma_start3A_39] : memref<10240x128xf32, #tpu.memory_space<vmem_shared>> -> memref<640x128xf32, #tpu.memory_space<vmem_shared>>
      tpu.enqueue_dma source(%dma_start3A_40 : memref<640x128xf32, #tpu.memory_space<vmem_shared>>) target(%dma_start3A_38 : memref<640x128xf32, #tpu.memory_space<hbm>>) target_semaphore(%run_scoped3A : memref<!tpu.dma_semaphore, #tpu.memory_space<semaphore_mem>>)
      %dma_wait3A = arith.constant 0 : i32
      %dma_wait3A_41 = arith.constant 0 : i32
      %dma_wait3A_42 = tpu.memref_slice %arg6[%add3A_5, %dma_wait3A, %dma_wait3A_41] : memref<4x10240x128xf32, #tpu.memory_space<hbm>> -> memref<1x10240x128xf32, #tpu.memory_space<hbm>>
      %dma_wait3A_43 = tpu.memref_squeeze %dma_wait3A_42 : memref<1x10240x128xf32, #tpu.memory_space<hbm>> -> memref<10240x128xf32, #tpu.memory_space<hbm>>
      %dma_wait3A_44 = arith.constant 0 : i32
      %dma_wait3A_45 = tpu.memref_slice %dma_wait3A_43[%mul3A_16, %dma_wait3A_44] : memref<10240x128xf32, #tpu.memory_space<hbm>> -> memref<640x128xf32, #tpu.memory_space<hbm>>
      %dma_wait3A_46 = arith.constant 0 : i32
      %dma_wait3A_47 = tpu.memref_slice %arg10[%mul3A_14, %dma_wait3A_46] : memref<10240x128xf32, #tpu.memory_space<vmem_shared>> -> memref<640x128xf32, #tpu.memory_space<vmem_shared>>
      tpu.wait_dma2 semaphore(%run_scoped3A : memref<!tpu.dma_semaphore, #tpu.memory_space<semaphore_mem>>) src(%dma_wait3A_47 : memref<640x128xf32, #tpu.memory_space<vmem_shared>>) dst(%dma_wait3A_45 : memref<640x128xf32, #tpu.memory_space<hbm>>)
      tpu.yield
    }) : () -> ()
    %mul3A_17 = arith.constant 2 : i32
    %mul3A_18 = arith.muli %arg0, %mul3A_17 : i32
    %add3A_19 = arith.constant 1 : i32
    %add3A_20 = arith.addi %mul3A_18, %add3A_19 : i32
    %mul3A_21 = arith.constant 640 : i32
    %mul3A_22 = arith.muli %arg1, %mul3A_21 : i32
    "tpu.region"() ({
      %run_scoped3A = tpu.sem_alloc : memref<!tpu.dma_semaphore, #tpu.memory_space<semaphore_mem>>
      %dma_start3A = arith.constant 0 : i32
      %dma_start3A_34 = tpu.memref_slice %arg10[%mul3A_22, %dma_start3A] : memref<10240x128xf32, #tpu.memory_space<vmem_shared>> -> memref<640x128xf32, #tpu.memory_space<vmem_shared>>
      tpu.enqueue_dma source(%arg5 : memref<640x128xf32, #tpu.memory_space<hbm>>) target(%dma_start3A_34 : memref<640x128xf32, #tpu.memory_space<vmem_shared>>) target_semaphore(%run_scoped3A : memref<!tpu.dma_semaphore, #tpu.memory_space<semaphore_mem>>)
      %dma_wait3A = arith.constant 0 : i32
      %dma_wait3A_35 = tpu.memref_slice %arg10[%mul3A_22, %dma_wait3A] : memref<10240x128xf32, #tpu.memory_space<vmem_shared>> -> memref<640x128xf32, #tpu.memory_space<vmem_shared>>
      tpu.wait_dma2 semaphore(%run_scoped3A : memref<!tpu.dma_semaphore, #tpu.memory_space<semaphore_mem>>) src(%arg5 : memref<640x128xf32, #tpu.memory_space<hbm>>) dst(%dma_wait3A_35 : memref<640x128xf32, #tpu.memory_space<vmem_shared>>)
      tpu.yield
    }) : () -> ()
    %barrier3A_23 = arith.constant 0 : index
    tpu.barrier barrier_id(%barrier3A_23)
    %scan3A_24 = arith.constant 0 : i32
    %scan3A_25 = arith.constant 80 : i32
    %scan3A_26 = arith.addi %scan3A_24, %scan3A_25 : i32
    %scan3A_27 = arith.constant 1 : i32
    scf.for %scan3A_34 = %scan3A_24 to %scan3A_26 step %scan3A_27  : i32 {
      %mul3A_35 = arith.constant 1 : i32
      %mul3A_36 = arith.muli %scan3A_34, %mul3A_35 : i32
      %add3A_37 = arith.constant 0 : i32
      %add3A_38 = arith.addi %add3A_37, %mul3A_36 : i32
      %mul3A_39 = arith.constant 128 : i32
      %mul3A_40 = arith.muli %add3A_38, %mul3A_39 : i32
      "tpu.region"() ({
        %run_scoped3A = tpu.sem_alloc : memref<!tpu.dma_semaphore, #tpu.memory_space<semaphore_mem>>
        %dma_start3A = tpu.memref_slice %arg7[%mul3A_40] : memref<10240xi32, #tpu.memory_space<vmem>> -> memref<128xi32, #tpu.memory_space<vmem>>
        %dma_start3A_41 = arith.constant 0 : i32
        %dma_start3A_42 = arith.constant 0 : i32
        %dma_start3A_43 = tpu.memref_slice %arg4[%add3A_20, %dma_start3A_41, %dma_start3A_42] : memref<4x10240x128xf32, #tpu.memory_space<hbm>> -> memref<1x10240x128xf32, #tpu.memory_space<hbm>>
        %dma_start3A_44 = tpu.memref_squeeze %dma_start3A_43 : memref<1x10240x128xf32, #tpu.memory_space<hbm>> -> memref<10240x128xf32, #tpu.memory_space<hbm>>
        %dma_start3A_45 = arith.constant 0 : i32
        %dma_start3A_46 = arith.constant 0 : i32
        %dma_start3A_47 = tpu.memref_slice %dma_start3A_44[%dma_start3A_45, %dma_start3A_46] : memref<10240x128xf32, #tpu.memory_space<hbm>> -> memref<10240x128xf32, #tpu.memory_space<hbm>>
        tpu.enqueue_indirect_dma source(%dma_start3A_47 : memref<10240x128xf32, #tpu.memory_space<hbm>>) target(%arg9 : memref<128x128xf32, #tpu.memory_space<vmem>>) offsets(%dma_start3A : memref<128xi32, #tpu.memory_space<vmem>>) semaphore(%run_scoped3A : memref<!tpu.dma_semaphore, #tpu.memory_space<semaphore_mem>>)
        %dma_wait3A = tpu.memref_slice %arg7[%mul3A_40] : memref<10240xi32, #tpu.memory_space<vmem>> -> memref<128xi32, #tpu.memory_space<vmem>>
        %dma_wait3A_48 = arith.constant 0 : i32
        %dma_wait3A_49 = arith.constant 0 : i32
        %dma_wait3A_50 = tpu.memref_slice %arg4[%add3A_20, %dma_wait3A_48, %dma_wait3A_49] : memref<4x10240x128xf32, #tpu.memory_space<hbm>> -> memref<1x10240x128xf32, #tpu.memory_space<hbm>>
        %dma_wait3A_51 = tpu.memref_squeeze %dma_wait3A_50 : memref<1x10240x128xf32, #tpu.memory_space<hbm>> -> memref<10240x128xf32, #tpu.memory_space<hbm>>
        %dma_wait3A_52 = arith.constant 0 : i32
        %dma_wait3A_53 = arith.constant 0 : i32
        %dma_wait3A_54 = tpu.memref_slice %dma_wait3A_51[%dma_wait3A_52, %dma_wait3A_53] : memref<10240x128xf32, #tpu.memory_space<hbm>> -> memref<10240x128xf32, #tpu.memory_space<hbm>>
        tpu.wait_indirect_dma semaphore(%run_scoped3A : memref<!tpu.dma_semaphore, #tpu.memory_space<semaphore_mem>>) src(%dma_wait3A_54 : memref<10240x128xf32, #tpu.memory_space<hbm>>) dst(%arg9 : memref<128x128xf32, #tpu.memory_space<vmem>>)
        tpu.yield
      }) : () -> ()
      "tpu.region"() ({
        %run_scoped3A = tpu.sem_alloc : memref<!tpu.dma_semaphore, #tpu.memory_space<semaphore_mem>>
        %dma_start3A = arith.constant 0 : i32
        %dma_start3A_41 = tpu.memref_slice %arg8[%add3A_38, %dma_start3A] : memref<80x128xi32, #tpu.memory_space<vmem>> -> memref<1x128xi32, #tpu.memory_space<vmem>>
        %dma_start3A_42 = tpu.memref_squeeze %dma_start3A_41 : memref<1x128xi32, #tpu.memory_space<vmem>> -> memref<128xi32, #tpu.memory_space<vmem>>
        %dma_start3A_43 = arith.constant 0 : i32
        %dma_start3A_44 = arith.constant 0 : i32
        %dma_start3A_45 = tpu.memref_slice %arg10[%dma_start3A_43, %dma_start3A_44] : memref<10240x128xf32, #tpu.memory_space<vmem_shared>> -> memref<10240x128xf32, #tpu.memory_space<vmem_shared>>
        tpu.enqueue_indirect_dma source(%arg9 : memref<128x128xf32, #tpu.memory_space<vmem>>) target(%dma_start3A_45 : memref<10240x128xf32, #tpu.memory_space<vmem_shared>>) offsets(%dma_start3A_42 : memref<128xi32, #tpu.memory_space<vmem>>) semaphore(%run_scoped3A : memref<!tpu.dma_semaphore, #tpu.memory_space<semaphore_mem>>) {add = true}
        %dma_wait3A = arith.constant 0 : i32
        %dma_wait3A_46 = tpu.memref_slice %arg8[%add3A_38, %dma_wait3A] : memref<80x128xi32, #tpu.memory_space<vmem>> -> memref<1x128xi32, #tpu.memory_space<vmem>>
        %dma_wait3A_47 = tpu.memref_squeeze %dma_wait3A_46 : memref<1x128xi32, #tpu.memory_space<vmem>> -> memref<128xi32, #tpu.memory_space<vmem>>
        %dma_wait3A_48 = arith.constant 0 : i32
        %dma_wait3A_49 = arith.constant 0 : i32
        %dma_wait3A_50 = tpu.memref_slice %arg10[%dma_wait3A_48, %dma_wait3A_49] : memref<10240x128xf32, #tpu.memory_space<vmem_shared>> -> memref<10240x128xf32, #tpu.memory_space<vmem_shared>>
        tpu.wait_indirect_dma semaphore(%run_scoped3A : memref<!tpu.dma_semaphore, #tpu.memory_space<semaphore_mem>>) src(%arg9 : memref<128x128xf32, #tpu.memory_space<vmem>>) dst(%dma_wait3A_50 : memref<10240x128xf32, #tpu.memory_space<vmem_shared>>)
        tpu.yield
      }) : () -> ()
    }
    %scan3A_28 = arith.constant 80 : i32
    %barrier3A_29 = arith.constant 0 : index
    tpu.barrier barrier_id(%barrier3A_29)
    %mul3A_30 = arith.constant 640 : i32
    %mul3A_31 = arith.muli %arg1, %mul3A_30 : i32
    %mul3A_32 = arith.constant 640 : i32
    %mul3A_33 = arith.muli %arg1, %mul3A_32 : i32
    "tpu.region"() ({
      %run_scoped3A = tpu.sem_alloc : memref<!tpu.dma_semaphore, #tpu.memory_space<semaphore_mem>>
      %dma_start3A = arith.constant 0 : i32
      %dma_start3A_34 = arith.constant 0 : i32
      %dma_start3A_35 = tpu.memref_slice %arg6[%add3A_20, %dma_start3A, %dma_start3A_34] : memref<4x10240x128xf32, #tpu.memory_space<hbm>> -> memref<1x10240x128xf32, #tpu.memory_space<hbm>>
      %dma_start3A_36 = tpu.memref_squeeze %dma_start3A_35 : memref<1x10240x128xf32, #tpu.memory_space<hbm>> -> memref<10240x128xf32, #tpu.memory_space<hbm>>
      %dma_start3A_37 = arith.constant 0 : i32
      %dma_start3A_38 = tpu.memref_slice %dma_start3A_36[%mul3A_33, %dma_start3A_37] : memref<10240x128xf32, #tpu.memory_space<hbm>> -> memref<640x128xf32, #tpu.memory_space<hbm>>
      %dma_start3A_39 = arith.constant 0 : i32
      %dma_start3A_40 = tpu.memref_slice %arg10[%mul3A_31, %dma_start3A_39] : memref<10240x128xf32, #tpu.memory_space<vmem_shared>> -> memref<640x128xf32, #tpu.memory_space<vmem_shared>>
      tpu.enqueue_dma source(%dma_start3A_40 : memref<640x128xf32, #tpu.memory_space<vmem_shared>>) target(%dma_start3A_38 : memref<640x128xf32, #tpu.memory_space<hbm>>) target_semaphore(%run_scoped3A : memref<!tpu.dma_semaphore, #tpu.memory_space<semaphore_mem>>)
      %dma_wait3A = arith.constant 0 : i32
      %dma_wait3A_41 = arith.constant 0 : i32
      %dma_wait3A_42 = tpu.memref_slice %arg6[%add3A_20, %dma_wait3A, %dma_wait3A_41] : memref<4x10240x128xf32, #tpu.memory_space<hbm>> -> memref<1x10240x128xf32, #tpu.memory_space<hbm>>
      %dma_wait3A_43 = tpu.memref_squeeze %dma_wait3A_42 : memref<1x10240x128xf32, #tpu.memory_space<hbm>> -> memref<10240x128xf32, #tpu.memory_space<hbm>>
      %dma_wait3A_44 = arith.constant 0 : i32
      %dma_wait3A_45 = tpu.memref_slice %dma_wait3A_43[%mul3A_33, %dma_wait3A_44] : memref<10240x128xf32, #tpu.memory_space<hbm>> -> memref<640x128xf32, #tpu.memory_space<hbm>>
      %dma_wait3A_46 = arith.constant 0 : i32
      %dma_wait3A_47 = tpu.memref_slice %arg10[%mul3A_31, %dma_wait3A_46] : memref<10240x128xf32, #tpu.memory_space<vmem_shared>> -> memref<640x128xf32, #tpu.memory_space<vmem_shared>>
      tpu.wait_dma2 semaphore(%run_scoped3A : memref<!tpu.dma_semaphore, #tpu.memory_space<semaphore_mem>>) src(%dma_wait3A_47 : memref<640x128xf32, #tpu.memory_space<vmem_shared>>) dst(%dma_wait3A_45 : memref<640x128xf32, #tpu.memory_space<hbm>>)
      tpu.yield
    }) : () -> ()
    return
  }
}

#map = affine_map<(d0, d1) -> (0)>
#map1 = affine_map<(d0, d1) -> (0, 0)>
#map2 = affine_map<(d0, d1) -> (0, 0, 0)>
module attributes {stable_mosaic.version = 14 : i64} {
  func.func @body(%arg0: i32, %arg1: i32, %arg2: memref<163840xi32, #tpu.memory_space<hbm>>, %arg3: memref<1280x128xi32, #tpu.memory_space<hbm>>, %arg4: memref<2x10240x128xf32, #tpu.memory_space<hbm>>, %arg5: memref<640x128xf32, #tpu.memory_space<hbm>>, %arg6: memref<2x10240x128xf32, #tpu.memory_space<hbm>>, %arg7: memref<10240xi32, #tpu.memory_space<vmem>>, %arg8: memref<80x128xi32, #tpu.memory_space<vmem>>, %arg9: memref<128x128xf32, #tpu.memory_space<vmem>>, %arg10: memref<10240x128xf32, #tpu.memory_space<vmem_shared>>) attributes {dimension_semantics = [#tpu.dimension_semantics<core_parallel>, #tpu.dimension_semantics<subcore_parallel>], iteration_bounds = array<i64: 2, 16>, scalar_prefetch = 0 : i64, scratch_operands = 4 : i64, tpu.core_type = #tpu.core_type<sc_vector_subcore>, window_params = [{transform_indices = #map}, {transform_indices = #map1}, {transform_indices = #map2}, {transform_indices = #map1}, {transform_indices = #map2}]} {
    %mul3A = arith.constant 10240 : i32
    %mul3A_0 = arith.muli %arg1, %mul3A : i32
    "tpu.region"() ({
      %run_scoped3A = tpu.sem_alloc : memref<!tpu.dma_semaphore, #tpu.memory_space<semaphore_mem>>
      %dma_start3A = tpu.memref_slice %arg2[%mul3A_0] : memref<163840xi32, #tpu.memory_space<hbm>> -> memref<10240xi32, #tpu.memory_space<hbm>>
      %dma_start3A_17 = tpu.memref_slice %arg2[%mul3A_0] : memref<163840xi32, #tpu.memory_space<hbm>> -> memref<10240xi32, #tpu.memory_space<hbm>>
      tpu.enqueue_dma source(%dma_start3A_17 : memref<10240xi32, #tpu.memory_space<hbm>>) target(%arg7 : memref<10240xi32, #tpu.memory_space<vmem>>) target_semaphore(%run_scoped3A : memref<!tpu.dma_semaphore, #tpu.memory_space<semaphore_mem>>)
      %dma_wait3A = tpu.memref_slice %arg2[%mul3A_0] : memref<163840xi32, #tpu.memory_space<hbm>> -> memref<10240xi32, #tpu.memory_space<hbm>>
      %dma_wait3A_18 = tpu.memref_slice %arg2[%mul3A_0] : memref<163840xi32, #tpu.memory_space<hbm>> -> memref<10240xi32, #tpu.memory_space<hbm>>
      tpu.wait_dma2 semaphore(%run_scoped3A : memref<!tpu.dma_semaphore, #tpu.memory_space<semaphore_mem>>) src(%dma_wait3A_18 : memref<10240xi32, #tpu.memory_space<hbm>>) dst(%arg7 : memref<10240xi32, #tpu.memory_space<vmem>>)
      tpu.yield
    }) : () -> ()
    %mul3A_1 = arith.constant 80 : i32
    %mul3A_2 = arith.muli %arg1, %mul3A_1 : i32
    "tpu.region"() ({
      %run_scoped3A = tpu.sem_alloc : memref<!tpu.dma_semaphore, #tpu.memory_space<semaphore_mem>>
      %dma_start3A = arith.constant 0 : i32
      %dma_start3A_17 = tpu.memref_slice %arg3[%mul3A_2, %dma_start3A] : memref<1280x128xi32, #tpu.memory_space<hbm>> -> memref<80x128xi32, #tpu.memory_space<hbm>>
      %dma_start3A_18 = arith.constant 0 : i32
      %dma_start3A_19 = tpu.memref_slice %arg3[%mul3A_2, %dma_start3A_18] : memref<1280x128xi32, #tpu.memory_space<hbm>> -> memref<80x128xi32, #tpu.memory_space<hbm>>
      tpu.enqueue_dma source(%dma_start3A_19 : memref<80x128xi32, #tpu.memory_space<hbm>>) target(%arg8 : memref<80x128xi32, #tpu.memory_space<vmem>>) target_semaphore(%run_scoped3A : memref<!tpu.dma_semaphore, #tpu.memory_space<semaphore_mem>>)
      %dma_wait3A = arith.constant 0 : i32
      %dma_wait3A_20 = tpu.memref_slice %arg3[%mul3A_2, %dma_wait3A] : memref<1280x128xi32, #tpu.memory_space<hbm>> -> memref<80x128xi32, #tpu.memory_space<hbm>>
      %dma_wait3A_21 = arith.constant 0 : i32
      %dma_wait3A_22 = tpu.memref_slice %arg3[%mul3A_2, %dma_wait3A_21] : memref<1280x128xi32, #tpu.memory_space<hbm>> -> memref<80x128xi32, #tpu.memory_space<hbm>>
      tpu.wait_dma2 semaphore(%run_scoped3A : memref<!tpu.dma_semaphore, #tpu.memory_space<semaphore_mem>>) src(%dma_wait3A_22 : memref<80x128xi32, #tpu.memory_space<hbm>>) dst(%arg8 : memref<80x128xi32, #tpu.memory_space<vmem>>)
      tpu.yield
    }) : () -> ()
    %mul3A_3 = arith.constant 1 : i32
    %mul3A_4 = arith.muli %arg0, %mul3A_3 : i32
    %add3A = arith.constant 0 : i32
    %add3A_5 = arith.addi %mul3A_4, %add3A : i32
    %mul3A_6 = arith.constant 640 : i32
    %mul3A_7 = arith.muli %arg1, %mul3A_6 : i32
    "tpu.region"() ({
      %run_scoped3A = tpu.sem_alloc : memref<!tpu.dma_semaphore, #tpu.memory_space<semaphore_mem>>
      %dma_start3A = arith.constant 0 : i32
      %dma_start3A_17 = tpu.memref_slice %arg10[%mul3A_7, %dma_start3A] : memref<10240x128xf32, #tpu.memory_space<vmem_shared>> -> memref<640x128xf32, #tpu.memory_space<vmem_shared>>
      tpu.enqueue_dma source(%arg5 : memref<640x128xf32, #tpu.memory_space<hbm>>) target(%dma_start3A_17 : memref<640x128xf32, #tpu.memory_space<vmem_shared>>) target_semaphore(%run_scoped3A : memref<!tpu.dma_semaphore, #tpu.memory_space<semaphore_mem>>)
      %dma_wait3A = arith.constant 0 : i32
      %dma_wait3A_18 = tpu.memref_slice %arg10[%mul3A_7, %dma_wait3A] : memref<10240x128xf32, #tpu.memory_space<vmem_shared>> -> memref<640x128xf32, #tpu.memory_space<vmem_shared>>
      tpu.wait_dma2 semaphore(%run_scoped3A : memref<!tpu.dma_semaphore, #tpu.memory_space<semaphore_mem>>) src(%arg5 : memref<640x128xf32, #tpu.memory_space<hbm>>) dst(%dma_wait3A_18 : memref<640x128xf32, #tpu.memory_space<vmem_shared>>)
      tpu.yield
    }) : () -> ()
    %barrier3A = arith.constant 0 : index
    tpu.barrier barrier_id(%barrier3A)
    %scan3A = arith.constant 0 : i32
    %scan3A_8 = arith.constant 80 : i32
    %scan3A_9 = arith.addi %scan3A, %scan3A_8 : i32
    %scan3A_10 = arith.constant 1 : i32
    scf.for %scan3A_17 = %scan3A to %scan3A_9 step %scan3A_10  : i32 {
      %mul3A_18 = arith.constant 1 : i32
      %mul3A_19 = arith.muli %scan3A_17, %mul3A_18 : i32
      %add3A_20 = arith.constant 0 : i32
      %add3A_21 = arith.addi %add3A_20, %mul3A_19 : i32
      %mul3A_22 = arith.constant 128 : i32
      %mul3A_23 = arith.muli %add3A_21, %mul3A_22 : i32
      "tpu.region"() ({
        %run_scoped3A = tpu.sem_alloc : memref<!tpu.dma_semaphore, #tpu.memory_space<semaphore_mem>>
        %dma_start3A = tpu.memref_slice %arg7[%mul3A_23] : memref<10240xi32, #tpu.memory_space<vmem>> -> memref<128xi32, #tpu.memory_space<vmem>>
        %dma_start3A_24 = arith.constant 0 : i32
        %dma_start3A_25 = arith.constant 0 : i32
        %dma_start3A_26 = tpu.memref_slice %arg4[%add3A_5, %dma_start3A_24, %dma_start3A_25] : memref<2x10240x128xf32, #tpu.memory_space<hbm>> -> memref<1x10240x128xf32, #tpu.memory_space<hbm>>
        %dma_start3A_27 = tpu.memref_squeeze %dma_start3A_26 : memref<1x10240x128xf32, #tpu.memory_space<hbm>> -> memref<10240x128xf32, #tpu.memory_space<hbm>>
        %dma_start3A_28 = arith.constant 0 : i32
        %dma_start3A_29 = arith.constant 0 : i32
        %dma_start3A_30 = tpu.memref_slice %dma_start3A_27[%dma_start3A_28, %dma_start3A_29] : memref<10240x128xf32, #tpu.memory_space<hbm>> -> memref<10240x128xf32, #tpu.memory_space<hbm>>
        tpu.enqueue_indirect_dma source(%dma_start3A_30 : memref<10240x128xf32, #tpu.memory_space<hbm>>) target(%arg9 : memref<128x128xf32, #tpu.memory_space<vmem>>) offsets(%dma_start3A : memref<128xi32, #tpu.memory_space<vmem>>) semaphore(%run_scoped3A : memref<!tpu.dma_semaphore, #tpu.memory_space<semaphore_mem>>)
        %dma_wait3A = tpu.memref_slice %arg7[%mul3A_23] : memref<10240xi32, #tpu.memory_space<vmem>> -> memref<128xi32, #tpu.memory_space<vmem>>
        %dma_wait3A_31 = arith.constant 0 : i32
        %dma_wait3A_32 = arith.constant 0 : i32
        %dma_wait3A_33 = tpu.memref_slice %arg4[%add3A_5, %dma_wait3A_31, %dma_wait3A_32] : memref<2x10240x128xf32, #tpu.memory_space<hbm>> -> memref<1x10240x128xf32, #tpu.memory_space<hbm>>
        %dma_wait3A_34 = tpu.memref_squeeze %dma_wait3A_33 : memref<1x10240x128xf32, #tpu.memory_space<hbm>> -> memref<10240x128xf32, #tpu.memory_space<hbm>>
        %dma_wait3A_35 = arith.constant 0 : i32
        %dma_wait3A_36 = arith.constant 0 : i32
        %dma_wait3A_37 = tpu.memref_slice %dma_wait3A_34[%dma_wait3A_35, %dma_wait3A_36] : memref<10240x128xf32, #tpu.memory_space<hbm>> -> memref<10240x128xf32, #tpu.memory_space<hbm>>
        tpu.wait_indirect_dma semaphore(%run_scoped3A : memref<!tpu.dma_semaphore, #tpu.memory_space<semaphore_mem>>) src(%dma_wait3A_37 : memref<10240x128xf32, #tpu.memory_space<hbm>>) dst(%arg9 : memref<128x128xf32, #tpu.memory_space<vmem>>)
        tpu.yield
      }) : () -> ()
      "tpu.region"() ({
        %run_scoped3A = tpu.sem_alloc : memref<!tpu.dma_semaphore, #tpu.memory_space<semaphore_mem>>
        %dma_start3A = arith.constant 0 : i32
        %dma_start3A_24 = tpu.memref_slice %arg8[%add3A_21, %dma_start3A] : memref<80x128xi32, #tpu.memory_space<vmem>> -> memref<1x128xi32, #tpu.memory_space<vmem>>
        %dma_start3A_25 = tpu.memref_squeeze %dma_start3A_24 : memref<1x128xi32, #tpu.memory_space<vmem>> -> memref<128xi32, #tpu.memory_space<vmem>>
        %dma_start3A_26 = arith.constant 0 : i32
        %dma_start3A_27 = arith.constant 0 : i32
        %dma_start3A_28 = tpu.memref_slice %arg10[%dma_start3A_26, %dma_start3A_27] : memref<10240x128xf32, #tpu.memory_space<vmem_shared>> -> memref<10240x128xf32, #tpu.memory_space<vmem_shared>>
        tpu.enqueue_indirect_dma source(%arg9 : memref<128x128xf32, #tpu.memory_space<vmem>>) target(%dma_start3A_28 : memref<10240x128xf32, #tpu.memory_space<vmem_shared>>) offsets(%dma_start3A_25 : memref<128xi32, #tpu.memory_space<vmem>>) semaphore(%run_scoped3A : memref<!tpu.dma_semaphore, #tpu.memory_space<semaphore_mem>>) {add = true}
        %dma_wait3A = arith.constant 0 : i32
        %dma_wait3A_29 = tpu.memref_slice %arg8[%add3A_21, %dma_wait3A] : memref<80x128xi32, #tpu.memory_space<vmem>> -> memref<1x128xi32, #tpu.memory_space<vmem>>
        %dma_wait3A_30 = tpu.memref_squeeze %dma_wait3A_29 : memref<1x128xi32, #tpu.memory_space<vmem>> -> memref<128xi32, #tpu.memory_space<vmem>>
        %dma_wait3A_31 = arith.constant 0 : i32
        %dma_wait3A_32 = arith.constant 0 : i32
        %dma_wait3A_33 = tpu.memref_slice %arg10[%dma_wait3A_31, %dma_wait3A_32] : memref<10240x128xf32, #tpu.memory_space<vmem_shared>> -> memref<10240x128xf32, #tpu.memory_space<vmem_shared>>
        tpu.wait_indirect_dma semaphore(%run_scoped3A : memref<!tpu.dma_semaphore, #tpu.memory_space<semaphore_mem>>) src(%arg9 : memref<128x128xf32, #tpu.memory_space<vmem>>) dst(%dma_wait3A_33 : memref<10240x128xf32, #tpu.memory_space<vmem_shared>>)
        tpu.yield
      }) : () -> ()
    }
    %scan3A_11 = arith.constant 80 : i32
    %barrier3A_12 = arith.constant 0 : index
    tpu.barrier barrier_id(%barrier3A_12)
    %mul3A_13 = arith.constant 640 : i32
    %mul3A_14 = arith.muli %arg1, %mul3A_13 : i32
    %mul3A_15 = arith.constant 640 : i32
    %mul3A_16 = arith.muli %arg1, %mul3A_15 : i32
    "tpu.region"() ({
      %run_scoped3A = tpu.sem_alloc : memref<!tpu.dma_semaphore, #tpu.memory_space<semaphore_mem>>
      %dma_start3A = arith.constant 0 : i32
      %dma_start3A_17 = arith.constant 0 : i32
      %dma_start3A_18 = tpu.memref_slice %arg6[%add3A_5, %dma_start3A, %dma_start3A_17] : memref<2x10240x128xf32, #tpu.memory_space<hbm>> -> memref<1x10240x128xf32, #tpu.memory_space<hbm>>
      %dma_start3A_19 = tpu.memref_squeeze %dma_start3A_18 : memref<1x10240x128xf32, #tpu.memory_space<hbm>> -> memref<10240x128xf32, #tpu.memory_space<hbm>>
      %dma_start3A_20 = arith.constant 0 : i32
      %dma_start3A_21 = tpu.memref_slice %dma_start3A_19[%mul3A_16, %dma_start3A_20] : memref<10240x128xf32, #tpu.memory_space<hbm>> -> memref<640x128xf32, #tpu.memory_space<hbm>>
      %dma_start3A_22 = arith.constant 0 : i32
      %dma_start3A_23 = tpu.memref_slice %arg10[%mul3A_14, %dma_start3A_22] : memref<10240x128xf32, #tpu.memory_space<vmem_shared>> -> memref<640x128xf32, #tpu.memory_space<vmem_shared>>
      tpu.enqueue_dma source(%dma_start3A_23 : memref<640x128xf32, #tpu.memory_space<vmem_shared>>) target(%dma_start3A_21 : memref<640x128xf32, #tpu.memory_space<hbm>>) target_semaphore(%run_scoped3A : memref<!tpu.dma_semaphore, #tpu.memory_space<semaphore_mem>>)
      %dma_wait3A = arith.constant 0 : i32
      %dma_wait3A_24 = arith.constant 0 : i32
      %dma_wait3A_25 = tpu.memref_slice %arg6[%add3A_5, %dma_wait3A, %dma_wait3A_24] : memref<2x10240x128xf32, #tpu.memory_space<hbm>> -> memref<1x10240x128xf32, #tpu.memory_space<hbm>>
      %dma_wait3A_26 = tpu.memref_squeeze %dma_wait3A_25 : memref<1x10240x128xf32, #tpu.memory_space<hbm>> -> memref<10240x128xf32, #tpu.memory_space<hbm>>
      %dma_wait3A_27 = arith.constant 0 : i32
      %dma_wait3A_28 = tpu.memref_slice %dma_wait3A_26[%mul3A_16, %dma_wait3A_27] : memref<10240x128xf32, #tpu.memory_space<hbm>> -> memref<640x128xf32, #tpu.memory_space<hbm>>
      %dma_wait3A_29 = arith.constant 0 : i32
      %dma_wait3A_30 = tpu.memref_slice %arg10[%mul3A_14, %dma_wait3A_29] : memref<10240x128xf32, #tpu.memory_space<vmem_shared>> -> memref<640x128xf32, #tpu.memory_space<vmem_shared>>
      tpu.wait_dma2 semaphore(%run_scoped3A : memref<!tpu.dma_semaphore, #tpu.memory_space<semaphore_mem>>) src(%dma_wait3A_30 : memref<640x128xf32, #tpu.memory_space<vmem_shared>>) dst(%dma_wait3A_28 : memref<640x128xf32, #tpu.memory_space<hbm>>)
      tpu.yield
    }) : () -> ()
    return
  }
}

module attributes {stable_mosaic.version = 14 : i64} {
  func.func @_mm_body(%arg0: i32, %arg1: i32, %arg2: memref<256x512xf32, #tpu.memory_space<vmem>>, %arg3: memref<512x128xf32, #tpu.memory_space<vmem>>, %arg4: memref<256x128xf32, #tpu.memory_space<vmem>>, %arg5: memref<1x256x128xf32, #tpu.memory_space<vmem>>) attributes {dimension_semantics = [#tpu.dimension_semantics<parallel>, #tpu.dimension_semantics<parallel>], iteration_bounds = array<i64: 40, 4>, scalar_prefetch = 0 : i64, scratch_operands = 0 : i64, tpu.core_type = #tpu.core_type<tc>, window_params = [{transform_indices = @transform_0, window_bounds = array<i64: 256, 512>}, {transform_indices = @transform_1, window_bounds = array<i64: 512, 128>}, {transform_indices = @transform_2, window_bounds = array<i64: 256, 128>}, {transform_indices = @transform_3, window_bounds = array<i64: 1, 256, 128>}]} {
    %get3A = arith.constant 0 : index
    %get3A_0 = arith.constant 0 : index
    %get3A_1 = vector.load %arg2[%get3A, %get3A_0] : memref<256x512xf32, #tpu.memory_space<vmem>>, vector<256x512xf32>
    %get3A_2 = arith.constant 0 : index
    %get3A_3 = arith.constant 0 : index
    %get3A_4 = vector.load %arg3[%get3A_2, %get3A_3] : memref<512x128xf32, #tpu.memory_space<vmem>>, vector<512x128xf32>
    %dot_general3A = arith.constant dense<0.000000e+00> : vector<256x128xf32>
    %dot_general3A_5 = tpu.matmul %get3A_1, %get3A_4, %dot_general3A {dimension_numbers = #tpu.dot_dimension_numbers<[1], [0], [0], [1], [0, 0, 1, 1], [], []>, transpose_lhs_hint = false} : vector<256x512xf32>, vector<512x128xf32>, vector<256x128xf32> -> vector<256x128xf32>
    %get3A_6 = arith.constant 0 : index
    %get3A_7 = arith.constant 0 : index
    %get3A_8 = vector.load %arg4[%get3A_6, %get3A_7] : memref<256x128xf32, #tpu.memory_space<vmem>>, vector<256x128xf32>
    %add3A = arith.constant 1.000000e+00 : f32
    %add3A_9 = vector.broadcast %add3A : f32 to vector<256x128xf32>
    %add3A_10 = arith.addf %get3A_8, %add3A_9 : vector<256x128xf32>
    %rsqrt3A = math.rsqrt %add3A_10 : vector<256x128xf32>
    %mul3A = arith.mulf %dot_general3A_5, %rsqrt3A : vector<256x128xf32>
    %swap3A = arith.constant 0 : index
    %swap3A_11 = arith.constant 0 : index
    %swap3A_12 = arith.constant 0 : index
    %swap3A_13 = vector.load %arg5[%swap3A, %swap3A_11, %swap3A_12] : memref<1x256x128xf32, #tpu.memory_space<vmem>>, vector<1x256x128xf32>
    %swap3A_14 = vector.shape_cast %swap3A_13 : vector<1x256x128xf32> to vector<256x128xf32>
    %swap3A_15 = vector.shape_cast %mul3A : vector<256x128xf32> to vector<1x256x128xf32>
    tpu.vector_store %arg5[%swap3A, %swap3A_11, %swap3A_12], %swap3A_15 {strides = array<i32>} : memref<1x256x128xf32, #tpu.memory_space<vmem>>, vector<1x256x128xf32>,
    return
  }
  func.func @transform_0(%arg0: i32, %arg1: i32) -> (i32, i32) {
    %c0_i32 = arith.constant 0 : i32
    %c0_i32_0 = arith.constant 0 : i32
    return %arg0, %c0_i32 : i32, i32
  }
  func.func @transform_1(%arg0: i32, %arg1: i32) -> (i32, i32) {
    %c0_i32 = arith.constant 0 : i32
    %c0_i32_0 = arith.constant 0 : i32
    return %c0_i32, %arg1 : i32, i32
  }
  func.func @transform_2(%arg0: i32, %arg1: i32) -> (i32, i32) {
    %c0_i32 = arith.constant 0 : i32
    %c0_i32_0 = arith.constant 0 : i32
    return %arg0, %c0_i32 : i32, i32
  }
  func.func @transform_3(%arg0: i32, %arg1: i32) -> (i32, i32, i32) {
    %c0_i32 = arith.constant 0 : i32
    %c0_i32_0 = arith.constant 0 : i32
    return %arg1, %arg0, %c0_i32 : i32, i32, i32
  }
}

module attributes {stable_mosaic.version = 14 : i64} {
  func.func @_combine_body(%arg0: i32, %arg1: i32, %arg2: memref<1x256x128xf32, #tpu.memory_space<vmem>>, %arg3: memref<1x256x128xf32, #tpu.memory_space<vmem>>, %arg4: memref<256x128xf32, #tpu.memory_space<vmem>>, %arg5: memref<1x1x128xf32, #tpu.memory_space<vmem>>, %arg6: memref<256x128xf32, #tpu.memory_space<vmem>>) attributes {dimension_semantics = [#tpu.dimension_semantics<parallel>, #tpu.dimension_semantics<parallel>], iteration_bounds = array<i64: 40, 4>, scalar_prefetch = 0 : i64, scratch_operands = 0 : i64, tpu.core_type = #tpu.core_type<tc>, window_params = [{transform_indices = @transform_0, window_bounds = array<i64: 1, 256, 128>}, {transform_indices = @transform_1, window_bounds = array<i64: 1, 256, 128>}, {transform_indices = @transform_2, window_bounds = array<i64: 256, 128>}, {transform_indices = @transform_3, window_bounds = array<i64: 1, 1, 128>}, {transform_indices = @transform_4, window_bounds = array<i64: 256, 128>}]} {
    %get3A = arith.constant 0 : index
    %get3A_0 = arith.constant 0 : index
    %get3A_1 = vector.load %arg4[%get3A, %get3A_0] : memref<256x128xf32, #tpu.memory_space<vmem>>, vector<256x128xf32>
    %add3A = arith.constant 1.000000e+00 : f32
    %add3A_2 = vector.broadcast %add3A : f32 to vector<256x128xf32>
    %add3A_3 = arith.addf %get3A_1, %add3A_2 : vector<256x128xf32>
    %rsqrt3A = math.rsqrt %add3A_3 : vector<256x128xf32>
    %get3A_4 = arith.constant 0 : index
    %get3A_5 = arith.constant 0 : index
    %get3A_6 = arith.constant 0 : index
    %get3A_7 = vector.load %arg2[%get3A_4, %get3A_5, %get3A_6] : memref<1x256x128xf32, #tpu.memory_space<vmem>>, vector<1x256x128xf32>
    %get3A_8 = vector.shape_cast %get3A_7 : vector<1x256x128xf32> to vector<256x128xf32>
    %get3A_9 = arith.constant 0 : index
    %get3A_10 = arith.constant 0 : index
    %get3A_11 = arith.constant 0 : index
    %get3A_12 = vector.load %arg3[%get3A_9, %get3A_10, %get3A_11] : memref<1x256x128xf32, #tpu.memory_space<vmem>>, vector<1x256x128xf32>
    %get3A_13 = vector.shape_cast %get3A_12 : vector<1x256x128xf32> to vector<256x128xf32>
    %add3A_14 = arith.addf %get3A_8, %get3A_13 : vector<256x128xf32>
    %mul3A = arith.mulf %rsqrt3A, %add3A_14 : vector<256x128xf32>
    %get3A_15 = arith.constant 0 : index
    %get3A_16 = arith.constant 0 : index
    %get3A_17 = arith.constant 0 : index
    %get3A_18 = vector.load %arg5[%get3A_15, %get3A_16, %get3A_17] : memref<1x1x128xf32, #tpu.memory_space<vmem>>, vector<1x1x128xf32>
    %get3A_19 = vector.shape_cast %get3A_18 : vector<1x1x128xf32> to vector<1x128xf32>
    %add3A_20 = vector.broadcast %get3A_19 : vector<1x128xf32> to vector<256x128xf32>
    %add3A_21 = arith.addf %mul3A, %add3A_20 : vector<256x128xf32>
    %max3A = arith.constant 0.000000e+00 : f32
    %max3A_22 = vector.broadcast %max3A : f32 to vector<256x128xf32>
    %max3A_23 = arith.maximumf %add3A_21, %max3A_22 : vector<256x128xf32>
    %swap3A = arith.constant 0 : index
    %swap3A_24 = arith.constant 0 : index
    %swap3A_25 = vector.load %arg6[%swap3A, %swap3A_24] : memref<256x128xf32, #tpu.memory_space<vmem>>, vector<256x128xf32>
    tpu.vector_store %arg6[%swap3A, %swap3A_24], %max3A_23 {strides = array<i32>} : memref<256x128xf32, #tpu.memory_space<vmem>>, vector<256x128xf32>,
    return
  }
  func.func @transform_0(%arg0: i32, %arg1: i32) -> (i32, i32, i32) {
    %c0_i32 = arith.constant 0 : i32
    %c0_i32_0 = arith.constant 0 : i32
    return %arg1, %arg0, %c0_i32 : i32, i32, i32
  }
  func.func @transform_1(%arg0: i32, %arg1: i32) -> (i32, i32, i32) {
    %c0_i32 = arith.constant 0 : i32
    %c0_i32_0 = arith.constant 0 : i32
    return %arg1, %arg0, %c0_i32 : i32, i32, i32
  }
  func.func @transform_2(%arg0: i32, %arg1: i32) -> (i32, i32) {
    %c0_i32 = arith.constant 0 : i32
    %c0_i32_0 = arith.constant 0 : i32
    return %arg0, %c0_i32 : i32, i32
  }
  func.func @transform_3(%arg0: i32, %arg1: i32) -> (i32, i32, i32) {
    %c0_i32 = arith.constant 0 : i32
    %c0_i32_0 = arith.constant 0 : i32
    %c0_i32_1 = arith.constant 0 : i32
    return %arg1, %c0_i32, %c0_i32_0 : i32, i32, i32
  }
  func.func @transform_4(%arg0: i32, %arg1: i32) -> (i32, i32) {
    %c0_i32 = arith.constant 0 : i32
    return %arg0, %arg1 : i32, i32
  }
}

module attributes {stable_mosaic.version = 14 : i64} {
  func.func @_mm_body(%arg0: i32, %arg1: i32, %arg2: memref<256x512xf32, #tpu.memory_space<vmem>>, %arg3: memref<512x128xf32, #tpu.memory_space<vmem>>, %arg4: memref<256x128xf32, #tpu.memory_space<vmem>>, %arg5: memref<1x256x128xf32, #tpu.memory_space<vmem>>) attributes {dimension_semantics = [#tpu.dimension_semantics<parallel>, #tpu.dimension_semantics<parallel>], iteration_bounds = array<i64: 40, 2>, scalar_prefetch = 0 : i64, scratch_operands = 0 : i64, tpu.core_type = #tpu.core_type<tc>, window_params = [{transform_indices = @transform_0, window_bounds = array<i64: 256, 512>}, {transform_indices = @transform_1, window_bounds = array<i64: 512, 128>}, {transform_indices = @transform_2, window_bounds = array<i64: 256, 128>}, {transform_indices = @transform_3, window_bounds = array<i64: 1, 256, 128>}]} {
    %get3A = arith.constant 0 : index
    %get3A_0 = arith.constant 0 : index
    %get3A_1 = vector.load %arg2[%get3A, %get3A_0] : memref<256x512xf32, #tpu.memory_space<vmem>>, vector<256x512xf32>
    %get3A_2 = arith.constant 0 : index
    %get3A_3 = arith.constant 0 : index
    %get3A_4 = vector.load %arg3[%get3A_2, %get3A_3] : memref<512x128xf32, #tpu.memory_space<vmem>>, vector<512x128xf32>
    %dot_general3A = arith.constant dense<0.000000e+00> : vector<256x128xf32>
    %dot_general3A_5 = tpu.matmul %get3A_1, %get3A_4, %dot_general3A {dimension_numbers = #tpu.dot_dimension_numbers<[1], [0], [0], [1], [0, 0, 1, 1], [], []>, transpose_lhs_hint = false} : vector<256x512xf32>, vector<512x128xf32>, vector<256x128xf32> -> vector<256x128xf32>
    %get3A_6 = arith.constant 0 : index
    %get3A_7 = arith.constant 0 : index
    %get3A_8 = vector.load %arg4[%get3A_6, %get3A_7] : memref<256x128xf32, #tpu.memory_space<vmem>>, vector<256x128xf32>
    %add3A = arith.constant 1.000000e+00 : f32
    %add3A_9 = vector.broadcast %add3A : f32 to vector<256x128xf32>
    %add3A_10 = arith.addf %get3A_8, %add3A_9 : vector<256x128xf32>
    %rsqrt3A = math.rsqrt %add3A_10 : vector<256x128xf32>
    %mul3A = arith.mulf %dot_general3A_5, %rsqrt3A : vector<256x128xf32>
    %swap3A = arith.constant 0 : index
    %swap3A_11 = arith.constant 0 : index
    %swap3A_12 = arith.constant 0 : index
    %swap3A_13 = vector.load %arg5[%swap3A, %swap3A_11, %swap3A_12] : memref<1x256x128xf32, #tpu.memory_space<vmem>>, vector<1x256x128xf32>
    %swap3A_14 = vector.shape_cast %swap3A_13 : vector<1x256x128xf32> to vector<256x128xf32>
    %swap3A_15 = vector.shape_cast %mul3A : vector<256x128xf32> to vector<1x256x128xf32>
    tpu.vector_store %arg5[%swap3A, %swap3A_11, %swap3A_12], %swap3A_15 {strides = array<i32>} : memref<1x256x128xf32, #tpu.memory_space<vmem>>, vector<1x256x128xf32>,
    return
  }
  func.func @transform_0(%arg0: i32, %arg1: i32) -> (i32, i32) {
    %c0_i32 = arith.constant 0 : i32
    %c0_i32_0 = arith.constant 0 : i32
    return %arg0, %c0_i32 : i32, i32
  }
  func.func @transform_1(%arg0: i32, %arg1: i32) -> (i32, i32) {
    %c0_i32 = arith.constant 0 : i32
    %c0_i32_0 = arith.constant 0 : i32
    return %c0_i32, %arg1 : i32, i32
  }
  func.func @transform_2(%arg0: i32, %arg1: i32) -> (i32, i32) {
    %c0_i32 = arith.constant 0 : i32
    %c0_i32_0 = arith.constant 0 : i32
    return %arg0, %c0_i32 : i32, i32
  }
  func.func @transform_3(%arg0: i32, %arg1: i32) -> (i32, i32, i32) {
    %c0_i32 = arith.constant 0 : i32
    %c0_i32_0 = arith.constant 0 : i32
    return %arg1, %arg0, %c0_i32 : i32, i32, i32
  }
}

module attributes {stable_mosaic.version = 14 : i64} {
  func.func @_combine_body(%arg0: i32, %arg1: i32, %arg2: memref<1x256x128xf32, #tpu.memory_space<vmem>>, %arg3: memref<1x256x128xf32, #tpu.memory_space<vmem>>, %arg4: memref<256x128xf32, #tpu.memory_space<vmem>>, %arg5: memref<1x1x128xf32, #tpu.memory_space<vmem>>, %arg6: memref<256x128xf32, #tpu.memory_space<vmem>>) attributes {dimension_semantics = [#tpu.dimension_semantics<parallel>, #tpu.dimension_semantics<parallel>], iteration_bounds = array<i64: 40, 2>, scalar_prefetch = 0 : i64, scratch_operands = 0 : i64, tpu.core_type = #tpu.core_type<tc>, window_params = [{transform_indices = @transform_0, window_bounds = array<i64: 1, 256, 128>}, {transform_indices = @transform_1, window_bounds = array<i64: 1, 256, 128>}, {transform_indices = @transform_2, window_bounds = array<i64: 256, 128>}, {transform_indices = @transform_3, window_bounds = array<i64: 1, 1, 128>}, {transform_indices = @transform_4, window_bounds = array<i64: 256, 128>}]} {
    %get3A = arith.constant 0 : index
    %get3A_0 = arith.constant 0 : index
    %get3A_1 = vector.load %arg4[%get3A, %get3A_0] : memref<256x128xf32, #tpu.memory_space<vmem>>, vector<256x128xf32>
    %add3A = arith.constant 1.000000e+00 : f32
    %add3A_2 = vector.broadcast %add3A : f32 to vector<256x128xf32>
    %add3A_3 = arith.addf %get3A_1, %add3A_2 : vector<256x128xf32>
    %rsqrt3A = math.rsqrt %add3A_3 : vector<256x128xf32>
    %get3A_4 = arith.constant 0 : index
    %get3A_5 = arith.constant 0 : index
    %get3A_6 = arith.constant 0 : index
    %get3A_7 = vector.load %arg2[%get3A_4, %get3A_5, %get3A_6] : memref<1x256x128xf32, #tpu.memory_space<vmem>>, vector<1x256x128xf32>
    %get3A_8 = vector.shape_cast %get3A_7 : vector<1x256x128xf32> to vector<256x128xf32>
    %get3A_9 = arith.constant 0 : index
    %get3A_10 = arith.constant 0 : index
    %get3A_11 = arith.constant 0 : index
    %get3A_12 = vector.load %arg3[%get3A_9, %get3A_10, %get3A_11] : memref<1x256x128xf32, #tpu.memory_space<vmem>>, vector<1x256x128xf32>
    %get3A_13 = vector.shape_cast %get3A_12 : vector<1x256x128xf32> to vector<256x128xf32>
    %add3A_14 = arith.addf %get3A_8, %get3A_13 : vector<256x128xf32>
    %mul3A = arith.mulf %rsqrt3A, %add3A_14 : vector<256x128xf32>
    %get3A_15 = arith.constant 0 : index
    %get3A_16 = arith.constant 0 : index
    %get3A_17 = arith.constant 0 : index
    %get3A_18 = vector.load %arg5[%get3A_15, %get3A_16, %get3A_17] : memref<1x1x128xf32, #tpu.memory_space<vmem>>, vector<1x1x128xf32>
    %get3A_19 = vector.shape_cast %get3A_18 : vector<1x1x128xf32> to vector<1x128xf32>
    %add3A_20 = vector.broadcast %get3A_19 : vector<1x128xf32> to vector<256x128xf32>
    %add3A_21 = arith.addf %mul3A, %add3A_20 : vector<256x128xf32>
    %swap3A = arith.constant 0 : index
    %swap3A_22 = arith.constant 0 : index
    %swap3A_23 = vector.load %arg6[%swap3A, %swap3A_22] : memref<256x128xf32, #tpu.memory_space<vmem>>, vector<256x128xf32>
    tpu.vector_store %arg6[%swap3A, %swap3A_22], %add3A_21 {strides = array<i32>} : memref<256x128xf32, #tpu.memory_space<vmem>>, vector<256x128xf32>,
    return
  }
  func.func @transform_0(%arg0: i32, %arg1: i32) -> (i32, i32, i32) {
    %c0_i32 = arith.constant 0 : i32
    %c0_i32_0 = arith.constant 0 : i32
    return %arg1, %arg0, %c0_i32 : i32, i32, i32
  }
  func.func @transform_1(%arg0: i32, %arg1: i32) -> (i32, i32, i32) {
    %c0_i32 = arith.constant 0 : i32
    %c0_i32_0 = arith.constant 0 : i32
    return %arg1, %arg0, %c0_i32 : i32, i32, i32
  }
  func.func @transform_2(%arg0: i32, %arg1: i32) -> (i32, i32) {
    %c0_i32 = arith.constant 0 : i32
    %c0_i32_0 = arith.constant 0 : i32
    return %arg0, %c0_i32 : i32, i32
  }
  func.func @transform_3(%arg0: i32, %arg1: i32) -> (i32, i32, i32) {
    %c0_i32 = arith.constant 0 : i32
    %c0_i32_0 = arith.constant 0 : i32
    %c0_i32_1 = arith.constant 0 : i32
    return %arg1, %c0_i32, %c0_i32_0 : i32, i32, i32
  }
  func.func @transform_4(%arg0: i32, %arg1: i32) -> (i32, i32) {
    %c0_i32 = arith.constant 0 : i32
    return %arg0, %arg1 : i32, i32
  }
}

</mosaic_0001>

<sc_bundles>
// kernel: kernel.12.cloned.1.call-start
scs
__scs_entry_jumppad:
0x0: {  	(pc) =	sbr.rel $0x88, $3  }
0x1: {  	(tag) =	ssettag $0x0;
	lr =	simm.s32 $0x1  }
0x2: {  	[smem:$0x3F9A] =	sst lr;
	_ =	strace $0xD0000000  }
0x3: {  	_ = 	snop  }
0x4: {  	_ = 	snop  }
0x5: {  	_ = 	snop  }
0x6: {  	_ = 	snop  }
0x7: {  	_ = 	snop  }
__scs_overlays_trampoline_lowered:
0x8: {  	[smem:$0x3FA9] =	sst s0  }
0x9: {  	[smem:$0x3FAA] =	sst s1  }
0xa: {  	[smem:$0x3FAB] =	sst s2  }
0xb: {  	[smem:$0x3FAC] =	sst s3  }
0xc: {  	[smem:$0x3FAD] =	sst s4  }
0xd: {  	[smem:$0x3FAE] =	sst s5  }
0xe: {  	[smem:$0x3FAF] =	sst s6  }
0xf: {  	[smem:$0x3FB0] =	sst s7  }
0x10: {  	[smem:$0x3FB1] =	sst s8  }
0x11: {  	[smem:$0x3FB2] =	sst s9;
	s0 =	simm.s32 @!p0 $0x0  }
0x12: {  	s1 =	sld [smem:$0x3F98];
	s0 =	simm.s32 @p0 $0x1  }
0x13: {  	[smem:$0x3FB3] =	sst s0;
	s0 =	simm.s32 @!p1 $0x0  }
0x14: {  	s2 =	sld [smem:$0x3F97];
	s0 =	simm.s32 @p1 $0x1  }
0x15: {  	[smem:$0x3FB4] =	sst s0;
	s0 =	simm.s32 @!p2 $0x0  }
0x16: {  	s3 =	sld [smem:$0x3FDB];
	s0 =	simm.s32 @p2 $0x1  }
0x17: {  	s4 =	simm.s32 $0x1BF5;
	[smem:$0x3FB6] =	sst s0  }
0x18: {  	s0 =	sld [smem:$0x3F99];
	_ =	swait.ge [sflag:s4], $0x0  }
0x19: {  	s7 =	sld [smem:$0x3F9A]  }
0x1a: {  	s8 =	sadd.s32 $0xFFFFE003, lr  }
0x1b: {  	s9 =	sadd.s32 $0xFFFFFEF7, lr;
	s5 =	simm.s32 $0xFFFFFFFF;
	p2 =	slt.u32 s8, $0xFFFFF086  }
0x1c: {  	p1 =	slt.u32 s9, $0xF7A;
	s5 =	simm.s32 @!p2 $0x0  }
0x1d: {  	s5 =	simm.s32 @p1 $0x1;
	p0 =	seq.s32 s7, s2  }
0x1e: {  	s7 =	smul.u32 @!p0 $0xF7A, s2;
	p2 =	seq.s32 @!p0 s5, $0x0  }
0x1f: {  	s9 =	smul.u32 $0xF7A, s1;
	s8 =	simm.s32 @!p0 $0x1BF5;
	p2 =	por !p2, p0  }
0x20: {  	[sflag:s8] =	ssyncset.s32 @!p0 $0xFFFFF086;
	s6 =	sadd.s32 @!p0 s3, s7;
	s7 =	simm.s32 @!p0 $0x108  }
0x21: {  	s3 =	sadd.s32 s3, s9;
	s6 =	sadd.s32 @!p0 $0x88, s6;
	s7 =	simm.s32 @p2 $0x1082  }
0x22: {  	[simem:s7], [sflag:s8] =	dma.local @!p0 [hbm:s6], $0xF7A  }
0x23: {  	s9 =	sor.u32 $0xD0000000, s2;
	s6 =	simm.s32 $0x108;
	_ =	swait.ge @!p0 [sflag:s8], $0x0  }
0x24: {  	s3 =	sadd.s32 $0x88, s3;
	s6 =	simm.s32 @!p1 $0x1082;
	[sflag:s4] =	ssyncset.s32 $0xFFFFF086  }
0x25: {  	[simem:s6], [sflag:s4] =	dma.local [hbm:s3], $0xF7A  }
0x26: {  	[smem:$0x3F9A] =	sst s1;
	(tag) =	ssettag s2;
	_ =	strace s9  }
0x27: {  	s1 =	sld [smem:$0x3FAA]  }
0x28: {  	s2 =	sld [smem:$0x3FAB]  }
0x29: {  	s4 =	sld [smem:$0x3FAD]  }
0x2a: {  	p0 =	seq.s32 s5, $0x0;
	s5 =	sld [smem:$0x3FAE]  }
0x2b: {  	s6 =	sld [smem:$0x3FAF]  }
0x2c: {  	s7 =	sld [smem:$0x3FB0]  }
0x2d: {  	s3 =	simm.s32 $0x108;
	s8 =	sld [smem:$0x3FB1]  }
0x2e: {  	s3 =	simm.s32 @!p0 $0x1082;
	s9 =	sld [smem:$0x3FB2]  }
0x2f: {  	lr =	sadd.s32 s0, s3;
	s0 =	sld [smem:$0x3FA9]  }
0x30: {  	s3 =	sld [smem:$0x3FAC]  }
0x31: {  	[smem:$0x3FB5] =	sst s10  }
0x32: {  	s10 =	sld [smem:$0x3FB3];
	_ =	sdelay $0x3  }
0x33: {  	p0 =	seq.s32 s10, $0x1;
	s10 =	sld [smem:$0x3FB5];
	_ =	sdelay $0x3  }
0x34: {  	[smem:$0x3FB5] =	sst s10  }
0x35: {  	s10 =	sld [smem:$0x3FB4];
	_ =	sdelay $0x3  }
0x36: {  	p1 =	seq.s32 s10, $0x1;
	s10 =	sld [smem:$0x3FB5];
	_ =	sdelay $0x3  }
0x37: {  	[smem:$0x3FB5] =	sst s10  }
0x38: {  	s10 =	sld [smem:$0x3FB6]  }
0x39: {  	_ = 	snop;
	(pc) =	sbr.ind lr, $3  }
0x3a: {  	_ = 	snop  }
0x3b: {  	_ = 	snop  }
0x3c: {  	p2 =	seq.s32 s10, $0x1;
	s10 =	sld [smem:$0x3FB5]  }
0x3d: {  	_ =	shalt  }
0x3e: {  	_ =	shalt  }
0x3f: {  	_ =	shalt  }
0x40: {  	_ =	shalt  }
0x41: {  	_ =	shalt  }
0x42: {  	_ =	shalt  }
0x43: {  	_ =	shalt  }
0x44: {  	_ =	shalt  }
0x45: {  	_ =	shalt  }
0x46: {  	_ =	shalt  }
0x47: {  	_ =	shalt  }
0x48: {  	_ =	shalt  }
0x49: {  	_ =	shalt  }
0x4a: {  	_ =	shalt  }
0x4b: {  	_ =	shalt  }
0x4c: {  	_ =	shalt  }
0x4d: {  	_ =	shalt  }
0x4e: {  	_ =	shalt  }
0x4f: {  	_ =	shalt  }
0x50: {  	_ =	shalt  }
0x51: {  	_ =	shalt  }
0x52: {  	_ =	shalt  }
0x53: {  	_ =	shalt  }
0x54: {  	_ =	shalt  }
0x55: {  	_ =	shalt  }
0x56: {  	_ =	shalt  }
0x57: {  	_ =	shalt  }
0x58: {  	_ =	shalt  }
0x59: {  	_ =	shalt  }
0x5a: {  	_ =	shalt  }
0x5b: {  	_ =	shalt  }
0x5c: {  	_ =	shalt  }
0x5d: {  	_ =	shalt  }
0x5e: {  	_ =	shalt  }
0x5f: {  	_ =	shalt  }
0x60: {  	_ =	shalt  }
0x61: {  	_ =	shalt  }
0x62: {  	_ =	shalt  }
0x63: {  	_ =	shalt  }
0x64: {  	_ =	shalt  }
0x65: {  	_ =	shalt  }
0x66: {  	_ =	shalt  }
0x67: {  	_ =	shalt  }
0x68: {  	_ =	shalt  }
0x69: {  	_ =	shalt  }
0x6a: {  	_ =	shalt  }
0x6b: {  	_ =	shalt  }
0x6c: {  	_ =	shalt  }
0x6d: {  	_ =	shalt  }
0x6e: {  	_ =	shalt  }
0x6f: {  	_ =	shalt  }
0x70: {  	_ =	shalt  }
0x71: {  	_ =	shalt  }
0x72: {  	_ =	shalt  }
0x73: {  	_ =	shalt  }
0x74: {  	_ =	shalt  }
0x75: {  	_ =	shalt  }
0x76: {  	_ =	shalt  }
0x77: {  	_ =	shalt  }
0x78: {  	_ =	shalt  }
0x79: {  	_ =	shalt  }
0x7a: {  	_ =	shalt  }
0x7b: {  	_ =	shalt  }
0x7c: {  	_ =	shalt  }
0x7d: {  	_ =	shalt  }
0x7e: {  	_ =	shalt  }
0x7f: {  	_ =	shalt  }
0x80: {  	_ =	shalt  }
0x81: {  	_ =	shalt  }
0x82: {  	_ =	shalt  }
0x83: {  	_ =	shalt  }
0x84: {  	_ =	shalt  }
0x85: {  	_ =	shalt  }
0x86: {  	_ =	shalt  }
0x87: {  	_ =	shalt  }
.Lfunc_end0:
.L_simem_size_0:
called_computation.1_lowered:
.L_overlay_start_0:
0x88: {  	s2 =	sld [smem:$0x3FD9]  }
0x89: {  	s3 =	sld [smem:$0x3FFE];
	_ =	sdelay $0x1  }
0x8a: {  	s1 =	srdreg.scid  }
0x8b: {  	s0 =	sand.u32 $0x1, s1  }
0x8c: {  	s17 =	sshll.u32 s0, $0xA;
	s2 =	sadd.s32 s3, s2  }
0x8d: {  	s2 =	sadd.s32 s2, s17  }
0x8e: {  	[smem:$0x3FC1] =	sst s2  }
0x8f: {  	_ = 	snop  }
0x90: {  	s2 =	sld [smem:$0x3FD0];
	(tm) =	ssettm $0x1  }
0x91: {  	s18 =	sld [smem:$0x3FFB];
	_ =	sdelay $0x3  }
0x92: {  	_ =	strace s18  }
0x93: {  	s3 =	sld [smem:$0x3FFC];
	_ =	sdelay $0x3  }
0x94: {  	_ =	strace s3  }
0x95: {  	s3 =	sld [smem:$0x3FFD];
	_ =	sdelay $0x3  }
0x96: {  	_ =	strace s3  }
0x97: {  	_ =	strace $0x8FFFFFFF  }
0x98: {  	s19 =	sld [smem:$0x3FDB];
	_ =	sdelay $0x1  }
0x99: {  	s4 =	simm.s32 $_scs_section_size  }
0x9a: {  	s5 =	simm.s32 $_size__tile_overlayer_lowered;
	s6 =	simm.s32 $_tile_overlayer_lowered  }
0x9b: {  	s22 =	simm.s32 $0x1BFF;
	s21 =	sshll.u32 s6, $0x1;
	s3 =	sadd.s32 s4, s19  }
0x9c: {  	s7 =	simm.s32 $0x0;
	s20 =	sshll.u32 s5, $0x1;
	s5 =	sadd.s32 s21, s3  }
0x9d: {  	[timem:s7], [sflag:s22] =	dma.local [hbm:s5], s20  }
0x9e: {  	_ =	swait.ge [sflag:s22], s20  }
0x9f: {  	s4 =	ssub.s32 $0x0, s20;
	[sflag:s22] =	ssyncset.done $0x0  }
0xa0: {  	[sflag:s22] =	ssyncadd.s32 s4;
	_ =	sdelay $0x1  }
0xa1: {  	s23 =	simm.s32 $0x1B8B  }
0xa2: {  	_ =	swait.ge [sflag:s23], $0x1  }
0xa3: {  	[sflag:s23] =	ssyncset.done $0x0  }
0xa4: {  	s25 =	simm.s32 $0x1B8E;
	s24 =	sld [smem:$0x3FFE];
	[sflag:s23] =	ssyncadd.s32 $0xFFFFFFFF  }
0xa5: {  	s26 =	simm.s32 $execute0_lowered;
	[smem:$0x3FD2] =	sst s25  }
0xa6: {  	s5 =	sshll.u32 s26, $0x1;
	_ =	strace $0x80000049;
	[dreg:$0x1] =	wrdreg $0xFFFFFFFF  }
0xa7: {  	s28 =	simm.s32 $_size_execute0_lowered;
	s3 =	sadd.s32 s3, s5;
	[dreg:$0x0] =	wrdreg $0x0  }
0xa8: {  	s5 =	sshll.u32 s28, $0x1;
	[dreg:$0x2] =	wrdreg s3  }
0xa9: {  	[dreg:$0x3] =	wrdreg s5  }
0xaa: {  	[dreg:$0x4] =	wrdreg $0xC0  }
0xab: {  	_ =	task [dreg:s7], $0x5FFFF  }
0xac: {  	[dreg:$0x1] =	wrdreg $0xFFFFFFFF  }
0xad: {  	[dreg:$0x0] =	wrdreg $0x60  }
0xae: {  	[dreg:$0x2] =	wrdreg s2  }
0xaf: {  	[dreg:$0x3] =	wrdreg s24  }
0xb0: {  	[dreg:$0x4] =	wrdreg $0x90000  }
0xb1: {  	[dreg:$0x5] =	wrdreg $0x9  }
0xb2: {  	_ =	task.clear_ibuf [dreg:s7], $0x6FFFF;
	_ =	strace $0x90000049  }
0xb3: {  	s29 =	simm.s32 $0x9;
	_ =	strace $0x8000004B  }
0xb4: {  	_ =	swait.ge [sflag:s29], $0x1  }
0xb5: {  	[sflag:s29] =	ssyncadd.s32 $0xFFFFFFFF  }
0xb6: {  	_ =	strace $0x9000004B  }
0xb7: {  	_ =	sfence  }
0xb8: {  	s30 =	sld [smem:$0x0];
	_ =	sdelay $0x2  }
0xb9: {  	s31 =	sshll.u32 s1, $0xD;
	s1 =	sshrl.u32 s1, $0x2  }
0xba: {  	s3 =	sand.u32 $0x4000, s31;
	s1 =	sadd.s32 s1, s30  }
0xbb: {  	s0 =	sor.u32 s3, s0;
	s1 =	sshll.u32 s1, $0x11  }
0xbc: {  	s0 =	sor.u32 s1, s0  }
0xbd: {  	s0 =	sadd.s32 $0x8F2B, s0  }
0xbe: {  	[sflag:s0] =	ssyncadd.remote.s32 $0x1  }
0xbf: {  	_ =	sfence.sel $0xFFFF  }
0xc0: {  	[dreg:$0x0] =	wrdreg $0xFFFFFFFF;
	(pc) =	sbr.abs _section_cstart, $3  }
0xc1: {  	[dreg:$0x1] =	wrdreg $0xFFFFFFFF  }
0xc2: {  	_ =	task.clear_ibuf [dreg:s7], $0x2FFFF;
	_ =	strace $0x9FFFFFFF  }
0xc3: {  	(tm) =	ssettm $0x7FFFFFFF  }
tec
execute0_lowered:
.L_overlay_start_1:
0x0: {  	(tag) =	ssettag $0x1  }
0x1: {  	s5 =	rddreg [dreg:$0x0]  }
0x2: {  	s6 =	rddreg [dreg:$0x1]  }
0x3: {  	s2 =	rddreg [dreg:$0x2]  }
0x4: {  	s0 =	rddreg [dreg:$0x3];
	s3 =	simm.s32 $0x0  }
0x5: {  	s1 =	stileid.u32;
	s4 =	srdreg.scid;
	s15 =	simm.s32 $0x5000  }
0x6: {  	[smem:$0x7FF] =	sst s3;
	s7 =	smul.u32 $0x500, s1;
	s8 =	sand.u32 $0x1, s4  }
0x7: {  	s10 =	sadd.s32 $0xFA200, s6;
	s4 =	sadd.s32 $0x7A00, s6;
	s13 =	smul.u32 $0x50000, s1  }
0x8: {  	s14 =	sadd.s32 $0xA200, s6;
	s17 =	smul.u32 $0x2800, s1;
	s31 =	sshll.u32 s1, $0x6  }
0x9: {  	_ =	strace $0x8000004A;
	s11 =	ssub.s32 $0x2, s8;
	s8 =	smul.u32 $0x50000, s8  }
0xa: {  	s9 =	sadd.s32 s7, s6;
	s12 =	sshrl.u32 s11, $0x1;
	s5 =	sadd.s32 s5, s7  }
0xb: {  	s29 =	sshrl.u32 s13, $0x2;
	s11 =	ssub.s32 s11, s12;
	s6 =	sadd.s32 $0x2200, s9  }
0xc: {  	s13 =	sadd.s32 s29, s2;
	s7 =	sadd.s32 s10, s8;
	s30 =	sadd.s32 $0x28000, s8  }
0xd: {  	s16 =	sadd.s32 s14, s8;
	s12 =	sor.u32 $0x1C01, s31;
	s8 =	sadd.s32 s10, s30  }
0xe: {  	s18 =	sadd.s32 s14, s30;
	s9 =	smax.u32 s11, $0x1;
	s10 =	simm.s32 $0x1  }
0xf: {  	s11 =	simm.s32 $0x2800;
	s13 =	sshrl.u32 s13, $0x3;
	s14 =	simm.s32 $0x80  }
0x10: {  	s16 =	sadd.s32 s17, s16;
	s17 =	sadd.s32 s17, s18;
	s18 =	simm.s32 $0x0  }
.LBB2_1:
0x11: {  	[tilespmem:s3], [sflag:$0x1] =	stream.linear.gather [hbm4b:s5+s3], $0x2800, $0x38;
	[tilespmem:$0x1D000] =	vst v63  }
0x12: {  	_ =	swait.ge [sflag:s10], $0x2800  }
0x13: {  	[sflag:s10] =	ssyncset.done $0x0  }
0x14: {  	[sflag:s10] =	ssyncadd.s32 $0xFFFFD800  }
0x15: {  	[tilespmem:s11], [sflag:$0x1] =	stream.linear.gather [hbm4b:s6+s3], $0x2800, $0x38;
	[tilespmem:$0x1D000] =	vst v63  }
0x16: {  	_ =	swait.ge [sflag:s10], $0x2800  }
0x17: {  	[sflag:s10] =	ssyncset.done $0x0  }
0x18: {  	[sflag:s10] =	ssyncadd.s32 $0xFFFFD800  }
0x19: {  	[spmem:s13], [sflag:s12] =	dma.local [hbm:s4], $0x2800  }
0x1a: {  	_ =	swait.ge [sflag:s10], $0x2800  }
0x1b: {  	[sflag:s10] =	ssyncset.done $0x0  }
0x1c: {  	[sflag:s10] =	ssyncadd.s32 $0xFFFFD800  }
0x1d: {  	s19 =	simm.s32 $0x0;
	[bflag:$0x0] =	sbarrier.arrive $0xFFFF  }
0x1e: {  	[tilespmem:s15], [sflag:$0x1] =	stream.indirect.gather [hbm4b:s7+s14], $0x80, s19, s14, $0xb8;
	[tilespmem:$0x1D000] =	vst v63  }
0x1f: {  	_ =	swait.ge [sflag:s10], $0x4000  }
0x20: {  	[sflag:s10] =	ssyncset.done $0x0  }
0x21: {  	s31 =	simm.s32 $0x2800;
	[sflag:s10] =	ssyncadd.s32 $0xFFFFC000  }
0x22: {  	[spmem:s2] =	stream.indirect.scatter.add.f32 [tilespmem:s15], [sflag:$0x1], $0x80, s31, s14, $0xb8;
	[tilespmem:$0x1D000] =	vst v63  }
0x23: {  	_ =	swait.ge [sflag:s10], $0x4000  }
0x24: {  	s20 =	simm.s32 $0x400;
	s19 =	simm.s32 $0x200;
	[sflag:s10] =	ssyncset.done $0x0  }
.LBB2_2:
0x25: {  	s21 =	sshra.s32 s19, $0x2  }
0x26: {  	[sflag:s10] =	ssyncadd.s32 $0xFFFFC000;
	s19 =	smov.u32 s20;
	s22 =	sadd.s32 $0x200, s20  }
0x27: {  	[tilespmem:s15], [sflag:$0x1] =	stream.indirect.gather [hbm4b:s7+s14], $0x80, s21, s14, $0xb8;
	[tilespmem:$0x1D000] =	vst v63  }
0x28: {  	p0 =	sne.s32 s20, $0x9E00;
	_ =	swait.ge [sflag:s10], $0x4000  }
.Ltmp0:
0x29: {  	[sflag:s10] =	ssyncset.done $0x0;
	(pc) =	sbr.rel @p0 .LBB2_2-.Ltmp0, $4  }
0x2a: {  	s20 =	sadd.s32 $0x2800, s21;
	[sflag:s10] =	ssyncadd.s32 $0xFFFFC000  }
0x2b: {  	[spmem:s2] =	stream.indirect.scatter.add.f32 [tilespmem:s15], [sflag:$0x1], $0x80, s20, s14, $0xb8;
	[tilespmem:$0x1D000] =	vst v63  }
0x2c: {  	_ =	swait.ge [sflag:s10], $0x4000  }
0x2d: {  	s20 =	smov.u32 s22;
	[sflag:s10] =	ssyncset.done $0x0  }
0x2e: {  	s19 =	sshra.s32 s19, $0x2;
	[sflag:s10] =	ssyncadd.s32 $0xFFFFC000  }
0x2f: {  	[tilespmem:s15], [sflag:$0x1] =	stream.indirect.gather [hbm4b:s7+s14], $0x80, s19, s14, $0xb8;
	[tilespmem:$0x1D000] =	vst v63  }
0x30: {  	_ =	swait.ge [sflag:s10], $0x4000  }
0x31: {  	[sflag:s10] =	ssyncset.done $0x0  }
0x32: {  	s19 =	sadd.s32 $0x2800, s19;
	[sflag:s10] =	ssyncadd.s32 $0xFFFFC000  }
0x33: {  	[spmem:s2] =	stream.indirect.scatter.add.f32 [tilespmem:s15], [sflag:$0x1], $0x80, s19, s14, $0xb8;
	[tilespmem:$0x1D000] =	vst v63  }
0x34: {  	_ =	swait.ge [sflag:s10], $0x4000  }
0x35: {  	[sflag:s10] =	ssyncset.done $0x0  }
0x36: {  	[sflag:s10] =	ssyncadd.s32 $0xFFFFC000  }
0x37: {  	[bflag:$0x0] =	sbarrier.arrive $0xFFFF  }
0x38: {  	[hbm:s16], [sflag:s12] =	dma.local [spmem:s13], $0x2800  }
0x39: {  	_ =	swait.ge [sflag:s10], $0x2800  }
0x3a: {  	[sflag:s10] =	ssyncset.done $0x0  }
0x3b: {  	[sflag:s10] =	ssyncadd.s32 $0xFFFFD800  }
0x3c: {  	[spmem:s13], [sflag:s12] =	dma.local [hbm:s4], $0x2800  }
0x3d: {  	_ =	swait.ge [sflag:s10], $0x2800  }
0x3e: {  	[sflag:s10] =	ssyncset.done $0x0  }
0x3f: {  	[sflag:s10] =	ssyncadd.s32 $0xFFFFD800  }
0x40: {  	s30 =	simm.s32 $0x0;
	[bflag:$0x0] =	sbarrier.arrive $0xFFFF  }
0x41: {  	[tilespmem:s15], [sflag:$0x1] =	stream.indirect.gather [hbm4b:s8+s14], $0x80, s30, s14, $0xb8;
	[tilespmem:$0x1D000] =	vst v63  }
0x42: {  	_ =	swait.ge [sflag:s10], $0x4000  }
0x43: {  	[sflag:s10] =	ssyncset.done $0x0  }
0x44: {  	s31 =	simm.s32 $0x2800;
	[sflag:s10] =	ssyncadd.s32 $0xFFFFC000  }
0x45: {  	[spmem:s2] =	stream.indirect.scatter.add.f32 [tilespmem:s15], [sflag:$0x1], $0x80, s31, s14, $0xb8;
	[tilespmem:$0x1D000] =	vst v63  }
0x46: {  	_ =	swait.ge [sflag:s10], $0x4000  }
0x47: {  	s20 =	simm.s32 $0x400;
	s19 =	simm.s32 $0x200;
	[sflag:s10] =	ssyncset.done $0x0  }
.LBB2_4:
0x48: {  	s21 =	sshra.s32 s19, $0x2  }
0x49: {  	[sflag:s10] =	ssyncadd.s32 $0xFFFFC000;
	s19 =	smov.u32 s20;
	s22 =	sadd.s32 $0x200, s20  }
0x4a: {  	[tilespmem:s15], [sflag:$0x1] =	stream.indirect.gather [hbm4b:s8+s14], $0x80, s21, s14, $0xb8;
	[tilespmem:$0x1D000] =	vst v63  }
0x4b: {  	p0 =	sne.s32 s20, $0x9E00;
	_ =	swait.ge [sflag:s10], $0x4000  }
.Ltmp1:
0x4c: {  	[sflag:s10] =	ssyncset.done $0x0;
	(pc) =	sbr.rel @p0 .LBB2_4-.Ltmp1, $4  }
0x4d: {  	s20 =	sadd.s32 $0x2800, s21;
	[sflag:s10] =	ssyncadd.s32 $0xFFFFC000  }
0x4e: {  	[spmem:s2] =	stream.indirect.scatter.add.f32 [tilespmem:s15], [sflag:$0x1], $0x80, s20, s14, $0xb8;
	[tilespmem:$0x1D000] =	vst v63  }
0x4f: {  	_ =	swait.ge [sflag:s10], $0x4000  }
0x50: {  	s20 =	smov.u32 s22;
	[sflag:s10] =	ssyncset.done $0x0  }
0x51: {  	s19 =	sshra.s32 s19, $0x2;
	[sflag:s10] =	ssyncadd.s32 $0xFFFFC000  }
0x52: {  	[tilespmem:s15], [sflag:$0x1] =	stream.indirect.gather [hbm4b:s8+s14], $0x80, s19, s14, $0xb8;
	[tilespmem:$0x1D000] =	vst v63  }
0x53: {  	_ =	swait.ge [sflag:s10], $0x4000  }
0x54: {  	[sflag:s10] =	ssyncset.done $0x0  }
0x55: {  	s19 =	sadd.s32 $0x2800, s19;
	[sflag:s10] =	ssyncadd.s32 $0xFFFFC000  }
0x56: {  	[spmem:s2] =	stream.indirect.scatter.add.f32 [tilespmem:s15], [sflag:$0x1], $0x80, s19, s14, $0xb8;
	[tilespmem:$0x1D000] =	vst v63  }
0x57: {  	_ =	swait.ge [sflag:s10], $0x4000  }
0x58: {  	s18 =	sadd.s32 $0x1, s18;
	[sflag:s10] =	ssyncset.done $0x0  }
0x59: {  	p0 =	sne.s32 s18, s9;
	[sflag:s10] =	ssyncadd.s32 $0xFFFFC000  }
.Ltmp2:
0x5a: {  	[bflag:$0x0] =	sbarrier.arrive $0xFFFF;
	(pc) =	sbr.rel @p0 .LBB2_1-.Ltmp2, $4  }
0x5b: {  	[hbm:s17], [sflag:s12] =	dma.local [spmem:s13], $0x2800  }
0x5c: {  	_ =	swait.ge [sflag:s10], $0x2800  }
0x5d: {  	[sflag:s10] =	ssyncset.done $0x0  }
0x5e: {  	[sflag:s10] =	ssyncadd.s32 $0xFFFFD800  }
0x5f: {  	_ =	sfence.sel $0x180000  }
0x60: {  	[bflag:$0x0] =	sbarrier.arrive $0xFFFF  }
0x61: {  	p0 =	sne.s32 s1, $0x0;
	_ =	strace $0x9000004A  }
0x62: {  	s0 =	sadd.s32 @!p0 $0x100000, s0;
	[bflag:$0x2] =	sbarrier.arrive $0xFFFF  }
0x63: {  	[sflag:s0] =	ssyncadd.tile.s32 @!p0 $0x1;
	_ =	shalt  }
.Lfunc_end2:
_tile_overlayer_lowered:
.L_overlay_start_2:
0x64: {  	(tag) =	ssettag $0x2  }
0x65: {  	s0 =	rddreg [dreg:$0x0];
	s2 =	stileid.u32  }
0x66: {  	s1 =	rddreg [dreg:$0x1];
	p0 =	sne.s32 s2, $0x0  }
0x67: {  	s3 =	rddreg [dreg:$0x2];
	[bflag:$0x3] =	sbarrier.arrive $0xFFFF;
	s2 =	simm.s32 @!p0 $0x1C01  }
0x68: {  	[timem:s3], [sflag:s2] =	dma.local @!p0 [hbm:s0], s1  }
0x69: {  	s0 =	simm.s32 @!p0 $0x1  }
0x6a: {  	_ =	swait.ge @!p0 [sflag:s0], s1  }
0x6b: {  	s1 =	ssub.s32 @!p0 $0x0, s1;
	[sflag:s0] =	ssyncset.done @!p0 $0x0  }
0x6c: {  	[sflag:s0] =	ssyncadd.s32 @!p0 s1  }
0x6d: {  	[bflag:$0x3] =	sbarrier.arrive $0xFFFF  }
0x6e: {  	_ =	shalt  }

// kernel: kernel.15.cloned.1.call-start
scs
__scs_entry_jumppad:
0x0: {  	(pc) =	sbr.rel $0x88, $3  }
0x1: {  	(tag) =	ssettag $0x0;
	lr =	simm.s32 $0x1  }
0x2: {  	[smem:$0x3F9A] =	sst lr;
	_ =	strace $0xD0000000  }
0x3: {  	_ = 	snop  }
0x4: {  	_ = 	snop  }
0x5: {  	_ = 	snop  }
0x6: {  	_ = 	snop  }
0x7: {  	_ = 	snop  }
__scs_overlays_trampoline_lowered:
0x8: {  	[smem:$0x3FA9] =	sst s0  }
0x9: {  	[smem:$0x3FAA] =	sst s1  }
0xa: {  	[smem:$0x3FAB] =	sst s2  }
0xb: {  	[smem:$0x3FAC] =	sst s3  }
0xc: {  	[smem:$0x3FAD] =	sst s4  }
0xd: {  	[smem:$0x3FAE] =	sst s5  }
0xe: {  	[smem:$0x3FAF] =	sst s6  }
0xf: {  	[smem:$0x3FB0] =	sst s7  }
0x10: {  	[smem:$0x3FB1] =	sst s8  }
0x11: {  	[smem:$0x3FB2] =	sst s9;
	s0 =	simm.s32 @!p0 $0x0  }
0x12: {  	s1 =	sld [smem:$0x3F98];
	s0 =	simm.s32 @p0 $0x1  }
0x13: {  	[smem:$0x3FB3] =	sst s0;
	s0 =	simm.s32 @!p1 $0x0  }
0x14: {  	s2 =	sld [smem:$0x3F97];
	s0 =	simm.s32 @p1 $0x1  }
0x15: {  	[smem:$0x3FB4] =	sst s0;
	s0 =	simm.s32 @!p2 $0x0  }
0x16: {  	s3 =	sld [smem:$0x3FDB];
	s0 =	simm.s32 @p2 $0x1  }
0x17: {  	s4 =	simm.s32 $0x1BF5;
	[smem:$0x3FB6] =	sst s0  }
0x18: {  	s0 =	sld [smem:$0x3F99];
	_ =	swait.ge [sflag:s4], $0x0  }
0x19: {  	s7 =	sld [smem:$0x3F9A]  }
0x1a: {  	s8 =	sadd.s32 $0xFFFFE003, lr  }
0x1b: {  	s9 =	sadd.s32 $0xFFFFFEF7, lr;
	s5 =	simm.s32 $0xFFFFFFFF;
	p2 =	slt.u32 s8, $0xFFFFF086  }
0x1c: {  	p1 =	slt.u32 s9, $0xF7A;
	s5 =	simm.s32 @!p2 $0x0  }
0x1d: {  	s5 =	simm.s32 @p1 $0x1;
	p0 =	seq.s32 s7, s2  }
0x1e: {  	s7 =	smul.u32 @!p0 $0xF7A, s2;
	p2 =	seq.s32 @!p0 s5, $0x0  }
0x1f: {  	s9 =	smul.u32 $0xF7A, s1;
	s8 =	simm.s32 @!p0 $0x1BF5;
	p2 =	por !p2, p0  }
0x20: {  	[sflag:s8] =	ssyncset.s32 @!p0 $0xFFFFF086;
	s6 =	sadd.s32 @!p0 s3, s7;
	s7 =	simm.s32 @!p0 $0x108  }
0x21: {  	s3 =	sadd.s32 s3, s9;
	s6 =	sadd.s32 @!p0 $0x88, s6;
	s7 =	simm.s32 @p2 $0x1082  }
0x22: {  	[simem:s7], [sflag:s8] =	dma.local @!p0 [hbm:s6], $0xF7A  }
0x23: {  	s9 =	sor.u32 $0xD0000000, s2;
	s6 =	simm.s32 $0x108;
	_ =	swait.ge @!p0 [sflag:s8], $0x0  }
0x24: {  	s3 =	sadd.s32 $0x88, s3;
	s6 =	simm.s32 @!p1 $0x1082;
	[sflag:s4] =	ssyncset.s32 $0xFFFFF086  }
0x25: {  	[simem:s6], [sflag:s4] =	dma.local [hbm:s3], $0xF7A  }
0x26: {  	[smem:$0x3F9A] =	sst s1;
	(tag) =	ssettag s2;
	_ =	strace s9  }
0x27: {  	s1 =	sld [smem:$0x3FAA]  }
0x28: {  	s2 =	sld [smem:$0x3FAB]  }
0x29: {  	s4 =	sld [smem:$0x3FAD]  }
0x2a: {  	p0 =	seq.s32 s5, $0x0;
	s5 =	sld [smem:$0x3FAE]  }
0x2b: {  	s6 =	sld [smem:$0x3FAF]  }
0x2c: {  	s7 =	sld [smem:$0x3FB0]  }
0x2d: {  	s3 =	simm.s32 $0x108;
	s8 =	sld [smem:$0x3FB1]  }
0x2e: {  	s3 =	simm.s32 @!p0 $0x1082;
	s9 =	sld [smem:$0x3FB2]  }
0x2f: {  	lr =	sadd.s32 s0, s3;
	s0 =	sld [smem:$0x3FA9]  }
0x30: {  	s3 =	sld [smem:$0x3FAC]  }
0x31: {  	[smem:$0x3FB5] =	sst s10  }
0x32: {  	s10 =	sld [smem:$0x3FB3];
	_ =	sdelay $0x3  }
0x33: {  	p0 =	seq.s32 s10, $0x1;
	s10 =	sld [smem:$0x3FB5];
	_ =	sdelay $0x3  }
0x34: {  	[smem:$0x3FB5] =	sst s10  }
0x35: {  	s10 =	sld [smem:$0x3FB4];
	_ =	sdelay $0x3  }
0x36: {  	p1 =	seq.s32 s10, $0x1;
	s10 =	sld [smem:$0x3FB5];
	_ =	sdelay $0x3  }
0x37: {  	[smem:$0x3FB5] =	sst s10  }
0x38: {  	s10 =	sld [smem:$0x3FB6]  }
0x39: {  	_ = 	snop;
	(pc) =	sbr.ind lr, $3  }
0x3a: {  	_ = 	snop  }
0x3b: {  	_ = 	snop  }
0x3c: {  	p2 =	seq.s32 s10, $0x1;
	s10 =	sld [smem:$0x3FB5]  }
0x3d: {  	_ =	shalt  }
0x3e: {  	_ =	shalt  }
0x3f: {  	_ =	shalt  }
0x40: {  	_ =	shalt  }
0x41: {  	_ =	shalt  }
0x42: {  	_ =	shalt  }
0x43: {  	_ =	shalt  }
0x44: {  	_ =	shalt  }
0x45: {  	_ =	shalt  }
0x46: {  	_ =	shalt  }
0x47: {  	_ =	shalt  }
0x48: {  	_ =	shalt  }
0x49: {  	_ =	shalt  }
0x4a: {  	_ =	shalt  }
0x4b: {  	_ =	shalt  }
0x4c: {  	_ =	shalt  }
0x4d: {  	_ =	shalt  }
0x4e: {  	_ =	shalt  }
0x4f: {  	_ =	shalt  }
0x50: {  	_ =	shalt  }
0x51: {  	_ =	shalt  }
0x52: {  	_ =	shalt  }
0x53: {  	_ =	shalt  }
0x54: {  	_ =	shalt  }
0x55: {  	_ =	shalt  }
0x56: {  	_ =	shalt  }
0x57: {  	_ =	shalt  }
0x58: {  	_ =	shalt  }
0x59: {  	_ =	shalt  }
0x5a: {  	_ =	shalt  }
0x5b: {  	_ =	shalt  }
0x5c: {  	_ =	shalt  }
0x5d: {  	_ =	shalt  }
0x5e: {  	_ =	shalt  }
0x5f: {  	_ =	shalt  }
0x60: {  	_ =	shalt  }
0x61: {  	_ =	shalt  }
0x62: {  	_ =	shalt  }
0x63: {  	_ =	shalt  }
0x64: {  	_ =	shalt  }
0x65: {  	_ =	shalt  }
0x66: {  	_ =	shalt  }
0x67: {  	_ =	shalt  }
0x68: {  	_ =	shalt  }
0x69: {  	_ =	shalt  }
0x6a: {  	_ =	shalt  }
0x6b: {  	_ =	shalt  }
0x6c: {  	_ =	shalt  }
0x6d: {  	_ =	shalt  }
0x6e: {  	_ =	shalt  }
0x6f: {  	_ =	shalt  }
0x70: {  	_ =	shalt  }
0x71: {  	_ =	shalt  }
0x72: {  	_ =	shalt  }
0x73: {  	_ =	shalt  }
0x74: {  	_ =	shalt  }
0x75: {  	_ =	shalt  }
0x76: {  	_ =	shalt  }
0x77: {  	_ =	shalt  }
0x78: {  	_ =	shalt  }
0x79: {  	_ =	shalt  }
0x7a: {  	_ =	shalt  }
0x7b: {  	_ =	shalt  }
0x7c: {  	_ =	shalt  }
0x7d: {  	_ =	shalt  }
0x7e: {  	_ =	shalt  }
0x7f: {  	_ =	shalt  }
0x80: {  	_ =	shalt  }
0x81: {  	_ =	shalt  }
0x82: {  	_ =	shalt  }
0x83: {  	_ =	shalt  }
0x84: {  	_ =	shalt  }
0x85: {  	_ =	shalt  }
0x86: {  	_ =	shalt  }
0x87: {  	_ =	shalt  }
.Lfunc_end0:
.L_simem_size_0:
called_computation.2_lowered:
.L_overlay_start_0:
0x88: {  	s2 =	sld [smem:$0x3FD9]  }
0x89: {  	s3 =	sld [smem:$0x3FFE];
	_ =	sdelay $0x1  }
0x8a: {  	s1 =	srdreg.scid  }
0x8b: {  	s0 =	sand.u32 $0x1, s1  }
0x8c: {  	s17 =	sshll.u32 s0, $0xA;
	s2 =	sadd.s32 s3, s2  }
0x8d: {  	s2 =	sadd.s32 s2, s17  }
0x8e: {  	[smem:$0x3FC1] =	sst s2  }
0x8f: {  	_ = 	snop  }
0x90: {  	s2 =	sld [smem:$0x3FD0];
	(tm) =	ssettm $0x1  }
0x91: {  	s18 =	sld [smem:$0x3FFB];
	_ =	sdelay $0x3  }
0x92: {  	_ =	strace s18  }
0x93: {  	s3 =	sld [smem:$0x3FFC];
	_ =	sdelay $0x3  }
0x94: {  	_ =	strace s3  }
0x95: {  	s3 =	sld [smem:$0x3FFD];
	_ =	sdelay $0x3  }
0x96: {  	_ =	strace s3  }
0x97: {  	_ =	strace $0x8FFFFFFF  }
0x98: {  	s19 =	sld [smem:$0x3FDB];
	_ =	sdelay $0x1  }
0x99: {  	s4 =	simm.s32 $_scs_section_size  }
0x9a: {  	s5 =	simm.s32 $_size__tile_overlayer_lowered;
	s6 =	simm.s32 $_tile_overlayer_lowered  }
0x9b: {  	s22 =	simm.s32 $0x1BFF;
	s21 =	sshll.u32 s6, $0x1;
	s3 =	sadd.s32 s4, s19  }
0x9c: {  	s7 =	simm.s32 $0x0;
	s20 =	sshll.u32 s5, $0x1;
	s5 =	sadd.s32 s21, s3  }
0x9d: {  	[timem:s7], [sflag:s22] =	dma.local [hbm:s5], s20  }
0x9e: {  	_ =	swait.ge [sflag:s22], s20  }
0x9f: {  	s4 =	ssub.s32 $0x0, s20;
	[sflag:s22] =	ssyncset.done $0x0  }
0xa0: {  	[sflag:s22] =	ssyncadd.s32 s4;
	_ =	sdelay $0x1  }
0xa1: {  	s23 =	simm.s32 $0x1B8B  }
0xa2: {  	_ =	swait.ge [sflag:s23], $0x1  }
0xa3: {  	[sflag:s23] =	ssyncset.done $0x0  }
0xa4: {  	s25 =	simm.s32 $0x1B8E;
	s24 =	sld [smem:$0x3FFE];
	[sflag:s23] =	ssyncadd.s32 $0xFFFFFFFF  }
0xa5: {  	s26 =	simm.s32 $execute0_lowered;
	[smem:$0x3FD2] =	sst s25  }
0xa6: {  	s5 =	sshll.u32 s26, $0x1;
	_ =	strace $0x8000004C;
	[dreg:$0x1] =	wrdreg $0xFFFFFFFF  }
0xa7: {  	s28 =	simm.s32 $_size_execute0_lowered;
	s3 =	sadd.s32 s3, s5;
	[dreg:$0x0] =	wrdreg $0x0  }
0xa8: {  	s5 =	sshll.u32 s28, $0x1;
	[dreg:$0x2] =	wrdreg s3  }
0xa9: {  	[dreg:$0x3] =	wrdreg s5  }
0xaa: {  	[dreg:$0x4] =	wrdreg $0xC0  }
0xab: {  	_ =	task [dreg:s7], $0x5FFFF  }
0xac: {  	[dreg:$0x1] =	wrdreg $0xFFFFFFFF  }
0xad: {  	[dreg:$0x0] =	wrdreg $0x60  }
0xae: {  	[dreg:$0x2] =	wrdreg s2  }
0xaf: {  	[dreg:$0x3] =	wrdreg s24  }
0xb0: {  	[dreg:$0x4] =	wrdreg $0x90000  }
0xb1: {  	[dreg:$0x5] =	wrdreg $0x9  }
0xb2: {  	_ =	task.clear_ibuf [dreg:s7], $0x6FFFF;
	_ =	strace $0x9000004C  }
0xb3: {  	s29 =	simm.s32 $0x9;
	_ =	strace $0x8000004E  }
0xb4: {  	_ =	swait.ge [sflag:s29], $0x1  }
0xb5: {  	[sflag:s29] =	ssyncadd.s32 $0xFFFFFFFF  }
0xb6: {  	_ =	strace $0x9000004E  }
0xb7: {  	_ =	sfence  }
0xb8: {  	s30 =	sld [smem:$0x0];
	_ =	sdelay $0x2  }
0xb9: {  	s31 =	sshll.u32 s1, $0xD;
	s1 =	sshrl.u32 s1, $0x2  }
0xba: {  	s3 =	sand.u32 $0x4000, s31;
	s1 =	sadd.s32 s1, s30  }
0xbb: {  	s0 =	sor.u32 s3, s0;
	s1 =	sshll.u32 s1, $0x11  }
0xbc: {  	s0 =	sor.u32 s1, s0  }
0xbd: {  	s0 =	sadd.s32 $0x8F2B, s0  }
0xbe: {  	[sflag:s0] =	ssyncadd.remote.s32 $0x1  }
0xbf: {  	_ =	sfence.sel $0xFFFF  }
0xc0: {  	[dreg:$0x0] =	wrdreg $0xFFFFFFFF;
	(pc) =	sbr.abs _section_cstart, $3  }
0xc1: {  	[dreg:$0x1] =	wrdreg $0xFFFFFFFF  }
0xc2: {  	_ =	task.clear_ibuf [dreg:s7], $0x2FFFF;
	_ =	strace $0x9FFFFFFF  }
0xc3: {  	(tm) =	ssettm $0x7FFFFFFF  }
tec
execute0_lowered:
.L_overlay_start_1:
0x0: {  	(tag) =	ssettag $0x1  }
0x1: {  	s5 =	rddreg [dreg:$0x0]  }
0x2: {  	s6 =	rddreg [dreg:$0x1]  }
0x3: {  	s2 =	rddreg [dreg:$0x2]  }
0x4: {  	s0 =	rddreg [dreg:$0x3];
	s3 =	simm.s32 $0x0;
	s1 =	stileid.u32  }
0x5: {  	s4 =	srdreg.scid;
	s13 =	simm.s32 $0x80;
	s7 =	smul.u32 $0x500, s1  }
0x6: {  	s14 =	simm.s32 $0x5000;
	[smem:$0x7FF] =	sst s3;
	s11 =	smul.u32 $0x50000, s1  }
0x7: {  	s4 =	sand.u32 $0x1, s4;
	s16 =	smul.u32 $0x2800, s1;
	s31 =	sshll.u32 s1, $0x6  }
0x8: {  	_ =	strace $0x8000004D;
	s8 =	smul.u32 $0x28000, s4;
	s10 =	ssub.s32 $0x2, s4  }
0x9: {  	s4 =	sadd.s32 $0x7A00, s6;
	s9 =	sadd.s32 s7, s6;
	s29 =	sshrl.u32 s10, $0x1  }
0xa: {  	s5 =	sadd.s32 s5, s7;
	s30 =	sshrl.u32 s11, $0x2;
	s11 =	sor.u32 $0x1C01, s31  }
0xb: {  	s8 =	sadd.s32 s8, s6;
	s10 =	ssub.s32 s10, s29;
	s6 =	sadd.s32 $0x2200, s9  }
0xc: {  	s12 =	sadd.s32 s30, s2;
	s9 =	simm.s32 $0x1;
	s7 =	sadd.s32 $0xA200, s8  }
0xd: {  	s15 =	sadd.s32 $0x5A200, s8;
	s8 =	smax.u32 s10, $0x1;
	s10 =	simm.s32 $0x2800  }
0xe: {  	s12 =	sshrl.u32 s12, $0x3;
	s15 =	sadd.s32 s16, s15;
	s16 =	simm.s32 $0x0  }
.LBB2_1:
0xf: {  	[tilespmem:s3], [sflag:$0x1] =	stream.linear.gather [hbm4b:s5+s3], $0x2800, $0x38;
	[tilespmem:$0x1D000] =	vst v63  }
0x10: {  	_ =	swait.ge [sflag:s9], $0x2800  }
0x11: {  	[sflag:s9] =	ssyncset.done $0x0  }
0x12: {  	[sflag:s9] =	ssyncadd.s32 $0xFFFFD800  }
0x13: {  	[tilespmem:s10], [sflag:$0x1] =	stream.linear.gather [hbm4b:s6+s3], $0x2800, $0x38;
	[tilespmem:$0x1D000] =	vst v63  }
0x14: {  	_ =	swait.ge [sflag:s9], $0x2800  }
0x15: {  	[sflag:s9] =	ssyncset.done $0x0  }
0x16: {  	[sflag:s9] =	ssyncadd.s32 $0xFFFFD800  }
0x17: {  	[spmem:s12], [sflag:s11] =	dma.local [hbm:s4], $0x2800  }
0x18: {  	_ =	swait.ge [sflag:s9], $0x2800  }
0x19: {  	[sflag:s9] =	ssyncset.done $0x0  }
0x1a: {  	[sflag:s9] =	ssyncadd.s32 $0xFFFFD800  }
0x1b: {  	s17 =	simm.s32 $0x0;
	[bflag:$0x0] =	sbarrier.arrive $0xFFFF  }
0x1c: {  	[tilespmem:s14], [sflag:$0x1] =	stream.indirect.gather [hbm4b:s7+s13], $0x80, s17, s13, $0xb8;
	[tilespmem:$0x1D000] =	vst v63  }
0x1d: {  	_ =	swait.ge [sflag:s9], $0x4000  }
0x1e: {  	[sflag:s9] =	ssyncset.done $0x0  }
0x1f: {  	s31 =	simm.s32 $0x2800;
	[sflag:s9] =	ssyncadd.s32 $0xFFFFC000  }
0x20: {  	[spmem:s2] =	stream.indirect.scatter.add.f32 [tilespmem:s14], [sflag:$0x1], $0x80, s31, s13, $0xb8;
	[tilespmem:$0x1D000] =	vst v63  }
0x21: {  	_ =	swait.ge [sflag:s9], $0x4000  }
0x22: {  	s18 =	simm.s32 $0x400;
	s17 =	simm.s32 $0x200;
	[sflag:s9] =	ssyncset.done $0x0  }
.LBB2_2:
0x23: {  	s19 =	sshra.s32 s17, $0x2  }
0x24: {  	[sflag:s9] =	ssyncadd.s32 $0xFFFFC000;
	s17 =	smov.u32 s18;
	s20 =	sadd.s32 $0x200, s18  }
0x25: {  	[tilespmem:s14], [sflag:$0x1] =	stream.indirect.gather [hbm4b:s7+s13], $0x80, s19, s13, $0xb8;
	[tilespmem:$0x1D000] =	vst v63  }
0x26: {  	p0 =	sne.s32 s18, $0x9E00;
	_ =	swait.ge [sflag:s9], $0x4000  }
.Ltmp0:
0x27: {  	[sflag:s9] =	ssyncset.done $0x0;
	(pc) =	sbr.rel @p0 .LBB2_2-.Ltmp0, $4  }
0x28: {  	s18 =	sadd.s32 $0x2800, s19;
	[sflag:s9] =	ssyncadd.s32 $0xFFFFC000  }
0x29: {  	[spmem:s2] =	stream.indirect.scatter.add.f32 [tilespmem:s14], [sflag:$0x1], $0x80, s18, s13, $0xb8;
	[tilespmem:$0x1D000] =	vst v63  }
0x2a: {  	_ =	swait.ge [sflag:s9], $0x4000  }
0x2b: {  	s18 =	smov.u32 s20;
	[sflag:s9] =	ssyncset.done $0x0  }
0x2c: {  	s17 =	sshra.s32 s17, $0x2;
	[sflag:s9] =	ssyncadd.s32 $0xFFFFC000  }
0x2d: {  	[tilespmem:s14], [sflag:$0x1] =	stream.indirect.gather [hbm4b:s7+s13], $0x80, s17, s13, $0xb8;
	[tilespmem:$0x1D000] =	vst v63  }
0x2e: {  	_ =	swait.ge [sflag:s9], $0x4000  }
0x2f: {  	[sflag:s9] =	ssyncset.done $0x0  }
0x30: {  	s17 =	sadd.s32 $0x2800, s17;
	[sflag:s9] =	ssyncadd.s32 $0xFFFFC000  }
0x31: {  	[spmem:s2] =	stream.indirect.scatter.add.f32 [tilespmem:s14], [sflag:$0x1], $0x80, s17, s13, $0xb8;
	[tilespmem:$0x1D000] =	vst v63  }
0x32: {  	_ =	swait.ge [sflag:s9], $0x4000  }
0x33: {  	s16 =	sadd.s32 $0x1, s16;
	[sflag:s9] =	ssyncset.done $0x0  }
0x34: {  	p0 =	sne.s32 s16, s8;
	[sflag:s9] =	ssyncadd.s32 $0xFFFFC000  }
.Ltmp1:
0x35: {  	[bflag:$0x0] =	sbarrier.arrive $0xFFFF;
	(pc) =	sbr.rel @p0 .LBB2_1-.Ltmp1, $4  }
0x36: {  	[hbm:s15], [sflag:s11] =	dma.local [spmem:s12], $0x2800  }
0x37: {  	_ =	swait.ge [sflag:s9], $0x2800  }
0x38: {  	[sflag:s9] =	ssyncset.done $0x0  }
0x39: {  	[sflag:s9] =	ssyncadd.s32 $0xFFFFD800  }
0x3a: {  	_ =	sfence.sel $0x180000  }
0x3b: {  	[bflag:$0x0] =	sbarrier.arrive $0xFFFF  }
0x3c: {  	p0 =	sne.s32 s1, $0x0;
	_ =	strace $0x9000004D  }
0x3d: {  	s0 =	sadd.s32 @!p0 $0x100000, s0;
	[bflag:$0x2] =	sbarrier.arrive $0xFFFF  }
0x3e: {  	[sflag:s0] =	ssyncadd.tile.s32 @!p0 $0x1;
	_ =	shalt  }
.Lfunc_end2:
_tile_overlayer_lowered:
.L_overlay_start_2:
0x3f: {  	(tag) =	ssettag $0x2  }
0x40: {  	s0 =	rddreg [dreg:$0x0];
	s2 =	stileid.u32  }
0x41: {  	s1 =	rddreg [dreg:$0x1];
	p0 =	sne.s32 s2, $0x0  }
0x42: {  	s3 =	rddreg [dreg:$0x2];
	[bflag:$0x3] =	sbarrier.arrive $0xFFFF;
	s2 =	simm.s32 @!p0 $0x1C01  }
0x43: {  	[timem:s3], [sflag:s2] =	dma.local @!p0 [hbm:s0], s1  }
0x44: {  	s0 =	simm.s32 @!p0 $0x1  }
0x45: {  	_ =	swait.ge @!p0 [sflag:s0], s1  }
0x46: {  	s1 =	ssub.s32 @!p0 $0x0, s1;
	[sflag:s0] =	ssyncset.done @!p0 $0x0  }
0x47: {  	[sflag:s0] =	ssyncadd.s32 @!p0 s1  }
0x48: {  	[bflag:$0x3] =	sbarrier.arrive $0xFFFF  }
0x49: {  	_ =	shalt  }

// kernel: kernel.9.cloned.1.call-start
scs
__scs_entry_jumppad:
0x0: {  	(pc) =	sbr.rel $0x88, $3  }
0x1: {  	(tag) =	ssettag $0x0;
	lr =	simm.s32 $0x1  }
0x2: {  	[smem:$0x3F9A] =	sst lr;
	_ =	strace $0xD0000000  }
0x3: {  	_ = 	snop  }
0x4: {  	_ = 	snop  }
0x5: {  	_ = 	snop  }
0x6: {  	_ = 	snop  }
0x7: {  	_ = 	snop  }
__scs_overlays_trampoline_lowered:
0x8: {  	[smem:$0x3FA9] =	sst s0  }
0x9: {  	[smem:$0x3FAA] =	sst s1  }
0xa: {  	[smem:$0x3FAB] =	sst s2  }
0xb: {  	[smem:$0x3FAC] =	sst s3  }
0xc: {  	[smem:$0x3FAD] =	sst s4  }
0xd: {  	[smem:$0x3FAE] =	sst s5  }
0xe: {  	[smem:$0x3FAF] =	sst s6  }
0xf: {  	[smem:$0x3FB0] =	sst s7  }
0x10: {  	[smem:$0x3FB1] =	sst s8  }
0x11: {  	[smem:$0x3FB2] =	sst s9;
	s0 =	simm.s32 @!p0 $0x0  }
0x12: {  	s1 =	sld [smem:$0x3F98];
	s0 =	simm.s32 @p0 $0x1  }
0x13: {  	[smem:$0x3FB3] =	sst s0;
	s0 =	simm.s32 @!p1 $0x0  }
0x14: {  	s2 =	sld [smem:$0x3F97];
	s0 =	simm.s32 @p1 $0x1  }
0x15: {  	[smem:$0x3FB4] =	sst s0;
	s0 =	simm.s32 @!p2 $0x0  }
0x16: {  	s3 =	sld [smem:$0x3FDB];
	s0 =	simm.s32 @p2 $0x1  }
0x17: {  	s4 =	simm.s32 $0x1BF5;
	[smem:$0x3FB6] =	sst s0  }
0x18: {  	s0 =	sld [smem:$0x3F99];
	_ =	swait.ge [sflag:s4], $0x0  }
0x19: {  	s7 =	sld [smem:$0x3F9A]  }
0x1a: {  	s8 =	sadd.s32 $0xFFFFE003, lr  }
0x1b: {  	s9 =	sadd.s32 $0xFFFFFEF7, lr;
	s5 =	simm.s32 $0xFFFFFFFF;
	p2 =	slt.u32 s8, $0xFFFFF086  }
0x1c: {  	p1 =	slt.u32 s9, $0xF7A;
	s5 =	simm.s32 @!p2 $0x0  }
0x1d: {  	s5 =	simm.s32 @p1 $0x1;
	p0 =	seq.s32 s7, s2  }
0x1e: {  	s7 =	smul.u32 @!p0 $0xF7A, s2;
	p2 =	seq.s32 @!p0 s5, $0x0  }
0x1f: {  	s9 =	smul.u32 $0xF7A, s1;
	s8 =	simm.s32 @!p0 $0x1BF5;
	p2 =	por !p2, p0  }
0x20: {  	[sflag:s8] =	ssyncset.s32 @!p0 $0xFFFFF086;
	s6 =	sadd.s32 @!p0 s3, s7;
	s7 =	simm.s32 @!p0 $0x108  }
0x21: {  	s3 =	sadd.s32 s3, s9;
	s6 =	sadd.s32 @!p0 $0x88, s6;
	s7 =	simm.s32 @p2 $0x1082  }
0x22: {  	[simem:s7], [sflag:s8] =	dma.local @!p0 [hbm:s6], $0xF7A  }
0x23: {  	s9 =	sor.u32 $0xD0000000, s2;
	s6 =	simm.s32 $0x108;
	_ =	swait.ge @!p0 [sflag:s8], $0x0  }
0x24: {  	s3 =	sadd.s32 $0x88, s3;
	s6 =	simm.s32 @!p1 $0x1082;
	[sflag:s4] =	ssyncset.s32 $0xFFFFF086  }
0x25: {  	[simem:s6], [sflag:s4] =	dma.local [hbm:s3], $0xF7A  }
0x26: {  	[smem:$0x3F9A] =	sst s1;
	(tag) =	ssettag s2;
	_ =	strace s9  }
0x27: {  	s1 =	sld [smem:$0x3FAA]  }
0x28: {  	s2 =	sld [smem:$0x3FAB]  }
0x29: {  	s4 =	sld [smem:$0x3FAD]  }
0x2a: {  	p0 =	seq.s32 s5, $0x0;
	s5 =	sld [smem:$0x3FAE]  }
0x2b: {  	s6 =	sld [smem:$0x3FAF]  }
0x2c: {  	s7 =	sld [smem:$0x3FB0]  }
0x2d: {  	s3 =	simm.s32 $0x108;
	s8 =	sld [smem:$0x3FB1]  }
0x2e: {  	s3 =	simm.s32 @!p0 $0x1082;
	s9 =	sld [smem:$0x3FB2]  }
0x2f: {  	lr =	sadd.s32 s0, s3;
	s0 =	sld [smem:$0x3FA9]  }
0x30: {  	s3 =	sld [smem:$0x3FAC]  }
0x31: {  	[smem:$0x3FB5] =	sst s10  }
0x32: {  	s10 =	sld [smem:$0x3FB3];
	_ =	sdelay $0x3  }
0x33: {  	p0 =	seq.s32 s10, $0x1;
	s10 =	sld [smem:$0x3FB5];
	_ =	sdelay $0x3  }
0x34: {  	[smem:$0x3FB5] =	sst s10  }
0x35: {  	s10 =	sld [smem:$0x3FB4];
	_ =	sdelay $0x3  }
0x36: {  	p1 =	seq.s32 s10, $0x1;
	s10 =	sld [smem:$0x3FB5];
	_ =	sdelay $0x3  }
0x37: {  	[smem:$0x3FB5] =	sst s10  }
0x38: {  	s10 =	sld [smem:$0x3FB6]  }
0x39: {  	_ = 	snop;
	(pc) =	sbr.ind lr, $3  }
0x3a: {  	_ = 	snop  }
0x3b: {  	_ = 	snop  }
0x3c: {  	p2 =	seq.s32 s10, $0x1;
	s10 =	sld [smem:$0x3FB5]  }
0x3d: {  	_ =	shalt  }
0x3e: {  	_ =	shalt  }
0x3f: {  	_ =	shalt  }
0x40: {  	_ =	shalt  }
0x41: {  	_ =	shalt  }
0x42: {  	_ =	shalt  }
0x43: {  	_ =	shalt  }
0x44: {  	_ =	shalt  }
0x45: {  	_ =	shalt  }
0x46: {  	_ =	shalt  }
0x47: {  	_ =	shalt  }
0x48: {  	_ =	shalt  }
0x49: {  	_ =	shalt  }
0x4a: {  	_ =	shalt  }
0x4b: {  	_ =	shalt  }
0x4c: {  	_ =	shalt  }
0x4d: {  	_ =	shalt  }
0x4e: {  	_ =	shalt  }
0x4f: {  	_ =	shalt  }
0x50: {  	_ =	shalt  }
0x51: {  	_ =	shalt  }
0x52: {  	_ =	shalt  }
0x53: {  	_ =	shalt  }
0x54: {  	_ =	shalt  }
0x55: {  	_ =	shalt  }
0x56: {  	_ =	shalt  }
0x57: {  	_ =	shalt  }
0x58: {  	_ =	shalt  }
0x59: {  	_ =	shalt  }
0x5a: {  	_ =	shalt  }
0x5b: {  	_ =	shalt  }
0x5c: {  	_ =	shalt  }
0x5d: {  	_ =	shalt  }
0x5e: {  	_ =	shalt  }
0x5f: {  	_ =	shalt  }
0x60: {  	_ =	shalt  }
0x61: {  	_ =	shalt  }
0x62: {  	_ =	shalt  }
0x63: {  	_ =	shalt  }
0x64: {  	_ =	shalt  }
0x65: {  	_ =	shalt  }
0x66: {  	_ =	shalt  }
0x67: {  	_ =	shalt  }
0x68: {  	_ =	shalt  }
0x69: {  	_ =	shalt  }
0x6a: {  	_ =	shalt  }
0x6b: {  	_ =	shalt  }
0x6c: {  	_ =	shalt  }
0x6d: {  	_ =	shalt  }
0x6e: {  	_ =	shalt  }
0x6f: {  	_ =	shalt  }
0x70: {  	_ =	shalt  }
0x71: {  	_ =	shalt  }
0x72: {  	_ =	shalt  }
0x73: {  	_ =	shalt  }
0x74: {  	_ =	shalt  }
0x75: {  	_ =	shalt  }
0x76: {  	_ =	shalt  }
0x77: {  	_ =	shalt  }
0x78: {  	_ =	shalt  }
0x79: {  	_ =	shalt  }
0x7a: {  	_ =	shalt  }
0x7b: {  	_ =	shalt  }
0x7c: {  	_ =	shalt  }
0x7d: {  	_ =	shalt  }
0x7e: {  	_ =	shalt  }
0x7f: {  	_ =	shalt  }
0x80: {  	_ =	shalt  }
0x81: {  	_ =	shalt  }
0x82: {  	_ =	shalt  }
0x83: {  	_ =	shalt  }
0x84: {  	_ =	shalt  }
0x85: {  	_ =	shalt  }
0x86: {  	_ =	shalt  }
0x87: {  	_ =	shalt  }
.Lfunc_end0:
.L_simem_size_0:
called_computation_lowered:
.L_overlay_start_0:
0x88: {  	s2 =	sld [smem:$0x3FD9]  }
0x89: {  	s3 =	sld [smem:$0x3FFE];
	_ =	sdelay $0x1  }
0x8a: {  	s1 =	srdreg.scid  }
0x8b: {  	s0 =	sand.u32 $0x1, s1  }
0x8c: {  	s16 =	sshll.u32 s0, $0xA;
	s2 =	sadd.s32 s3, s2  }
0x8d: {  	s2 =	sadd.s32 s2, s16  }
0x8e: {  	[smem:$0x3FC1] =	sst s2  }
0x8f: {  	_ = 	snop  }
0x90: {  	(tm) =	ssettm $0x1  }
0x91: {  	s17 =	sld [smem:$0x3FFB];
	_ =	sdelay $0x3  }
0x92: {  	_ =	strace s17  }
0x93: {  	s2 =	sld [smem:$0x3FFC];
	_ =	sdelay $0x3  }
0x94: {  	_ =	strace s2  }
0x95: {  	s2 =	sld [smem:$0x3FFD];
	_ =	sdelay $0x3  }
0x96: {  	_ =	strace s2  }
0x97: {  	_ =	strace $0x8FFFFFFF  }
0x98: {  	s18 =	sld [smem:$0x3FDB];
	_ =	sdelay $0x1  }
0x99: {  	s19 =	simm.s32 $_scs_section_size  }
0x9a: {  	s4 =	simm.s32 $_size__tile_overlayer_lowered;
	s5 =	simm.s32 $_tile_overlayer_lowered  }
0x9b: {  	s22 =	simm.s32 $0x1BFF;
	s21 =	sshll.u32 s5, $0x1;
	s2 =	sadd.s32 s19, s18  }
0x9c: {  	s6 =	simm.s32 $0x0;
	s20 =	sshll.u32 s4, $0x1;
	s4 =	sadd.s32 s21, s2  }
0x9d: {  	[timem:s6], [sflag:s22] =	dma.local [hbm:s4], s20  }
0x9e: {  	_ =	swait.ge [sflag:s22], s20  }
0x9f: {  	s3 =	ssub.s32 $0x0, s20;
	[sflag:s22] =	ssyncset.done $0x0  }
0xa0: {  	[sflag:s22] =	ssyncadd.s32 s3;
	_ =	sdelay $0x1  }
0xa1: {  	s23 =	simm.s32 $0x1B8B  }
0xa2: {  	_ =	swait.ge [sflag:s23], $0x1  }
0xa3: {  	[sflag:s23] =	ssyncset.done $0x0  }
0xa4: {  	s25 =	simm.s32 $0x1B8E;
	s24 =	sld [smem:$0x3FFE];
	[sflag:s23] =	ssyncadd.s32 $0xFFFFFFFF  }
0xa5: {  	s26 =	simm.s32 $execute0_lowered;
	[smem:$0x3FD2] =	sst s25  }
0xa6: {  	s4 =	sshll.u32 s26, $0x1;
	_ =	strace $0x80000046;
	[dreg:$0x1] =	wrdreg $0xFFFFFFFF  }
0xa7: {  	s28 =	simm.s32 $_size_execute0_lowered;
	s2 =	sadd.s32 s2, s4;
	[dreg:$0x0] =	wrdreg $0x0  }
0xa8: {  	s4 =	sshll.u32 s28, $0x1;
	[dreg:$0x2] =	wrdreg s2  }
0xa9: {  	[dreg:$0x3] =	wrdreg s4  }
0xaa: {  	[dreg:$0x4] =	wrdreg $0xC0  }
0xab: {  	_ =	task [dreg:s6], $0x5FFFF  }
0xac: {  	[dreg:$0x1] =	wrdreg $0xFFFFFFFF  }
0xad: {  	[dreg:$0x0] =	wrdreg $0x60  }
0xae: {  	[dreg:$0x2] =	wrdreg s24  }
0xaf: {  	[dreg:$0x3] =	wrdreg $0x68000  }
0xb0: {  	[dreg:$0x4] =	wrdreg $0x9  }
0xb1: {  	_ =	task.clear_ibuf [dreg:s6], $0x5FFFF;
	_ =	strace $0x90000046  }
0xb2: {  	s29 =	simm.s32 $0x9;
	_ =	strace $0x80000048  }
0xb3: {  	_ =	swait.ge [sflag:s29], $0x1  }
0xb4: {  	[sflag:s29] =	ssyncadd.s32 $0xFFFFFFFF  }
0xb5: {  	_ =	strace $0x90000048  }
0xb6: {  	_ =	sfence  }
0xb7: {  	s30 =	sld [smem:$0x0];
	_ =	sdelay $0x2  }
0xb8: {  	s31 =	sshll.u32 s1, $0xD;
	s1 =	sshrl.u32 s1, $0x2  }
0xb9: {  	s3 =	sand.u32 $0x4000, s31;
	s1 =	sadd.s32 s1, s30  }
0xba: {  	s0 =	sor.u32 s3, s0;
	s1 =	sshll.u32 s1, $0x11  }
0xbb: {  	s0 =	sor.u32 s1, s0  }
0xbc: {  	s0 =	sadd.s32 $0x8F2B, s0  }
0xbd: {  	[sflag:s0] =	ssyncadd.remote.s32 $0x1  }
0xbe: {  	_ =	sfence.sel $0xFFFF  }
0xbf: {  	[dreg:$0x0] =	wrdreg $0xFFFFFFFF;
	(pc) =	sbr.abs _section_cstart, $3  }
0xc0: {  	[dreg:$0x1] =	wrdreg $0xFFFFFFFF  }
0xc1: {  	_ =	task.clear_ibuf [dreg:s6], $0x2FFFF;
	_ =	strace $0x9FFFFFFF  }
0xc2: {  	(tm) =	ssettm $0x7FFFFFFF  }
0xc3: {  	_ =	shalt  }
tec
execute0_lowered:
.L_overlay_start_1:
0x0: {  	(tag) =	ssettag $0x1  }
0x1: {  	s6 =	rddreg [dreg:$0x0]  }
0x2: {  	s2 =	rddreg [dreg:$0x1];
	s1 =	stileid.u32  }
0x3: {  	s0 =	rddreg [dreg:$0x2];
	s3 =	simm.s32 $0x0;
	s4 =	smul.u32 $0x500, s1  }
0x4: {  	s5 =	srdreg.scid;
	s12 =	simm.s32 $0x80;
	s10 =	smul.u32 $0x50000, s1  }
0x5: {  	[smem:$0x7FF] =	sst s3;
	s5 =	sand.u32 $0x1, s5;
	s14 =	smul.u32 $0x2800, s1  }
0x6: {  	s31 =	sshll.u32 s1, $0x6;
	_ =	strace $0x80000047;
	s8 =	smul.u32 $0x28000, s5  }
0x7: {  	s9 =	ssub.s32 $0x2, s5;
	s5 =	sadd.s32 $0x7A00, s6;
	s7 =	sadd.s32 s4, s6  }
0x8: {  	s4 =	sadd.s32 $0x7200, s6;
	s29 =	sshrl.u32 s9, $0x1;
	s30 =	sshrl.u32 s10, $0x2  }
0x9: {  	s10 =	sor.u32 $0x1C01, s31;
	s8 =	sadd.s32 s8, s6;
	s9 =	ssub.s32 s9, s29  }
0xa: {  	s6 =	sadd.s32 $0x2200, s7;
	s11 =	sadd.s32 s30, s2;
	s13 =	sadd.s32 $0xA200, s8  }
0xb: {  	s7 =	smax.u32 s9, $0x1;
	s8 =	simm.s32 $0x1;
	s9 =	simm.s32 $0x2800  }
0xc: {  	s11 =	sshrl.u32 s11, $0x3;
	s13 =	sadd.s32 s14, s13;
	s14 =	simm.s32 $0x0  }
.LBB2_1:
0xd: {  	[tilespmem:s3], [sflag:$0x1] =	stream.linear.gather [hbm4b:s6+s3], $0x2800, $0x38;
	[tilespmem:$0x1A800] =	vst v63  }
0xe: {  	_ =	swait.ge [sflag:s8], $0x2800  }
0xf: {  	[sflag:s8] =	ssyncset.done $0x0  }
0x10: {  	[sflag:s8] =	ssyncadd.s32 $0xFFFFD800  }
0x11: {  	[tilespmem:s9], [sflag:$0x1] =	stream.linear.gather [hbm4b:s4+s3], $0x4000, $0x38;
	[tilespmem:$0x1A800] =	vst v63  }
0x12: {  	_ =	swait.ge [sflag:s8], $0x4000  }
0x13: {  	[sflag:s8] =	ssyncset.done $0x0  }
0x14: {  	[sflag:s8] =	ssyncadd.s32 $0xFFFFC000  }
0x15: {  	[spmem:s11], [sflag:s10] =	dma.local [hbm:s5], $0x2800  }
0x16: {  	_ =	swait.ge [sflag:s8], $0x2800  }
0x17: {  	[sflag:s8] =	ssyncset.done $0x0  }
0x18: {  	[sflag:s8] =	ssyncadd.s32 $0xFFFFD800  }
0x19: {  	s15 =	simm.s32 $0x0;
	[bflag:$0x0] =	sbarrier.arrive $0xFFFF  }
0x1a: {  	[spmem:s2] =	stream.indirect.scatter.add.f32 [tilespmem:s9], [sflag:$0x1], $0x80, s15, s12, $0xb8;
	[tilespmem:$0x1A800] =	vst v63  }
0x1b: {  	_ =	swait.ge [sflag:s8], $0x4000  }
0x1c: {  	s15 =	simm.s32 $0x200;
	[sflag:s8] =	ssyncset.done $0x0  }
.LBB2_2:
0x1d: {  	s16 =	sshra.s32 s15, $0x2;
	[sflag:s8] =	ssyncadd.s32 $0xFFFFC000;
	p0 =	sne.s32 s15, $0x9E00  }
0x1e: {  	[spmem:s2] =	stream.indirect.scatter.add.f32 [tilespmem:s9], [sflag:$0x1], $0x80, s16, s12, $0xb8;
	[tilespmem:$0x1A800] =	vst v63  }
.Ltmp0:
0x1f: {  	_ = 	snop;
	(pc) =	sbr.rel @p0 .LBB2_2-.Ltmp0, $4  }
0x20: {  	_ = 	snop  }
0x21: {  	s15 =	sadd.s32 $0x200, s15  }
0x22: {  	_ =	swait.ge [sflag:s8], $0x4000  }
0x23: {  	[sflag:s8] =	ssyncset.done $0x0  }
0x24: {  	s14 =	sadd.s32 $0x1, s14  }
0x25: {  	[sflag:s8] =	ssyncadd.s32 $0xFFFFC000;
	p0 =	sne.s32 s14, s7  }
.Ltmp1:
0x26: {  	[bflag:$0x0] =	sbarrier.arrive $0xFFFF;
	(pc) =	sbr.rel @p0 .LBB2_1-.Ltmp1, $4  }
0x27: {  	[hbm:s13], [sflag:s10] =	dma.local [spmem:s11], $0x2800  }
0x28: {  	_ =	swait.ge [sflag:s8], $0x2800  }
0x29: {  	[sflag:s8] =	ssyncset.done $0x0  }
0x2a: {  	[sflag:s8] =	ssyncadd.s32 $0xFFFFD800  }
0x2b: {  	_ =	sfence.sel $0x180000  }
0x2c: {  	[bflag:$0x0] =	sbarrier.arrive $0xFFFF  }
0x2d: {  	p0 =	sne.s32 s1, $0x0;
	_ =	strace $0x90000047  }
0x2e: {  	s0 =	sadd.s32 @!p0 $0x100000, s0;
	[bflag:$0x2] =	sbarrier.arrive $0xFFFF  }
0x2f: {  	[sflag:s0] =	ssyncadd.tile.s32 @!p0 $0x1;
	_ =	shalt  }
.Lfunc_end2:
_tile_overlayer_lowered:
.L_overlay_start_2:
0x30: {  	(tag) =	ssettag $0x2  }
0x31: {  	s0 =	rddreg [dreg:$0x0];
	s2 =	stileid.u32  }
0x32: {  	s1 =	rddreg [dreg:$0x1];
	p0 =	sne.s32 s2, $0x0  }
0x33: {  	s3 =	rddreg [dreg:$0x2];
	[bflag:$0x3] =	sbarrier.arrive $0xFFFF;
	s2 =	simm.s32 @!p0 $0x1C01  }
0x34: {  	[timem:s3], [sflag:s2] =	dma.local @!p0 [hbm:s0], s1  }
0x35: {  	s0 =	simm.s32 @!p0 $0x1  }
0x36: {  	_ =	swait.ge @!p0 [sflag:s0], s1  }
0x37: {  	s1 =	ssub.s32 @!p0 $0x0, s1;
	[sflag:s0] =	ssyncset.done @!p0 $0x0  }
0x38: {  	[sflag:s0] =	ssyncadd.s32 @!p0 s1  }
0x39: {  	[bflag:$0x3] =	sbarrier.arrive $0xFFFF  }
0x3a: {  	_ =	shalt  }

</sc_bundles>
